<compile_context>
chip_gen: v7x
topology: tpu7x:2x2x1
jax: 0.10.2.dev20260603
libtpu: 0.0.44.dev20260713+nightly
codegen_flags: <defaults>
</compile_context>

<pallas_src>
import math

import jax
import jax.numpy as jnp
from jax import lax
from jax.experimental import pallas as pl
from jax.experimental.pallas import tpu as pltpu
from jax.experimental.pallas import tpu_sc as plsc

_N = 10000
_E = 320000
_H = 128
_F = 128
_G = 16
_CUTOFF = 10.0
_LOG2 = math.log(2.0)

_NC = 2
_NS = 16
_NW = _NC * _NS
_CH = 128
_NCHUNK = _E // _CH
_BASE = _NCHUNK // _NW
_EXTRA = _NCHUNK % _NW
_RPT = 624
_TAIL = _N - _NS * _RPT

_EB = 4000


def _ssp(v):
    return jnp.maximum(v, 0.0) + jnp.log(1.0 + jnp.exp(-jnp.abs(v))) - _LOG2


def _cutoff_body(ew_ref, c_ref):
    c_ref[...] = 0.5 * (jnp.cos(ew_ref[...] * (math.pi / _CUTOFF)) + 1.0)


def _edge_filter_body(ea_ref, c_ref, w1_ref, b1_ref, w2_ref, b2_ref, out_ref):
    t = jnp.dot(ea_ref[...], w1_ref[...], preferred_element_type=jnp.float32)
    t = _ssp(t + b1_ref[...])
    t = jnp.dot(t, w2_ref[...], preferred_element_type=jnp.float32) + b2_ref[...]
    out_ref[...] = t * c_ref[...]


def _embed_body(x_ref, w_ref, out_ref):
    out_ref[...] = jnp.dot(x_ref[...], w_ref[...], preferred_element_type=jnp.float32)


def _out_body(p_ref, w2_ref, b2_ref, lw_ref, lb_ref, o_ref):
    agg = p_ref[0] + p_ref[1]
    h2 = jnp.dot(agg, w2_ref[...], preferred_element_type=jnp.float32) + b2_ref[...]
    h2 = _ssp(h2)
    o_ref[...] = jnp.dot(h2, lw_ref[...], preferred_element_type=jnp.float32) + lb_ref[...]


def _sc_body(h_hbm, w_hbm, src_hbm, dst_hbm, out_hbm,
             agg_sh, rows_v, wv, sidx_v, didx_v, sem):
    c = lax.axis_index("c")
    s = lax.axis_index("s")
    w = c * _NS + s

    def _zero_row(i, _):
        for j in range(_H // 16):
            rows_v[i, pl.ds(16 * j, 16)] = jnp.zeros((16,), jnp.float32)
        return 0
    lax.fori_loop(0, _CH, _zero_row, 0)

    base = s * _RPT
    for k in range(_RPT // _CH):
        pltpu.sync_copy(rows_v, agg_sh.at[pl.ds(base + k * _CH, _CH)])
    rem = _RPT % _CH
    if rem:
        pltpu.sync_copy(rows_v.at[pl.ds(0, rem)],
                        agg_sh.at[pl.ds(base + (_RPT // _CH) * _CH, rem)])

    @pl.when(s == _NS - 1)
    def _zero_tail():
        pltpu.sync_copy(rows_v.at[pl.ds(0, _TAIL)],
                        agg_sh.at[pl.ds(_NS * _RPT, _TAIL)])
    plsc.subcore_barrier()

    start = w * _BASE + jnp.minimum(w, _EXTRA)
    count = jnp.where(w < _EXTRA, _BASE + 1, _BASE)

    def _chunk(g, _):
        @pl.when(g < count)
        def _do():
            row = start + g
            pltpu.sync_copy(src_hbm.at[row], sidx_v)
            pltpu.sync_copy(dst_hbm.at[row], didx_v)
            pltpu.async_copy(h_hbm.at[sidx_v], rows_v, sem).wait()
            pltpu.sync_copy(w_hbm.at[row], wv)

            def _mul(i, _2):
                for j in range(_H // 16):
                    sl = pl.ds(16 * j, 16)
                    rows_v[i, sl] = rows_v[i, sl] * wv[i, sl]
                return 0
            lax.fori_loop(0, _CH, _mul, 0)
            pltpu.sync_copy(rows_v, agg_sh.at[didx_v], add=True)
        return 0
    lax.fori_loop(0, _BASE + 1, _chunk, 0)

    plsc.subcore_barrier()
    pltpu.sync_copy(agg_sh.at[pl.ds(base, _RPT)],
                    out_hbm.at[c, pl.ds(base, _RPT)])

    @pl.when(s == _NS - 1)
    def _write_tail():
        pltpu.sync_copy(agg_sh.at[pl.ds(_NS * _RPT, _TAIL)],
                        out_hbm.at[c, pl.ds(_NS * _RPT, _TAIL)])


def kernel(x, edge_index, edge_weight, edge_attr,
           mlp_w1, mlp_b1, mlp_w2, mlp_b2,
           lin1_w, lin2_w, lin2_b, lin_w, lin_b):
    src = edge_index[0].astype(jnp.int32).reshape(_NCHUNK, _CH)
    dst = edge_index[1].astype(jnp.int32).reshape(_NCHUNK, _CH)

    cut = pl.pallas_call(
        _cutoff_body,
        out_shape=jax.ShapeDtypeStruct((_NCHUNK, _CH), jnp.float32),
    )(edge_weight.reshape(_NCHUNK, _CH))
    cut = cut.reshape(_E, 1)

    filt = pl.pallas_call(
        _edge_filter_body,
        grid=(_E // _EB,),
        in_specs=[
            pl.BlockSpec((_EB, _G), lambda i: (i, 0)),
            pl.BlockSpec((_EB, 1), lambda i: (i, 0)),
            pl.BlockSpec((_G, _F), lambda i: (0, 0)),
            pl.BlockSpec((1, _F), lambda i: (0, 0)),
            pl.BlockSpec((_F, _F), lambda i: (0, 0)),
            pl.BlockSpec((1, _F), lambda i: (0, 0)),
        ],
        out_specs=pl.BlockSpec((_EB, _F), lambda i: (i, 0)),
        out_shape=jax.ShapeDtypeStruct((_E, _F), jnp.float32),
    )(edge_attr, cut, mlp_w1, mlp_b1.reshape(1, _F), mlp_w2, mlp_b2.reshape(1, _F))

    h = pl.pallas_call(
        _embed_body,
        out_shape=jax.ShapeDtypeStruct((_N, _F), jnp.float32),
    )(x, lin1_w)

    sc = pl.kernel(
        _sc_body,
        out_type=jax.ShapeDtypeStruct((_NC, _N, _F), jnp.float32),
        mesh=plsc.VectorSubcoreMesh(core_axis_name="c", subcore_axis_name="s",
                                    num_cores=_NC, num_subcores=_NS),
        scratch_types=[
            pltpu.VMEM_SHARED((_N, _F), jnp.float32),
            pltpu.VMEM((_CH, _F), jnp.float32),
            pltpu.VMEM((_CH, _F), jnp.float32),
            pltpu.VMEM((_CH,), jnp.int32),
            pltpu.VMEM((_CH,), jnp.int32),
            pltpu.SemaphoreType.DMA,
        ],
    )
    partials = sc(h, filt.reshape(_NCHUNK, _CH, _F), src, dst)

    out = pl.pallas_call(
        _out_body,
        out_shape=jax.ShapeDtypeStruct((_N, _H), jnp.float32),
    )(partials, lin2_w, lin2_b.reshape(1, _H), lin_w, lin_b.reshape(1, _H))
    return out

# --- scband reference (transcript-rebuilt; emitter-appended) ---
"""Pipeline reference for scband-hetero-interaction-block-2877628088816 (READ-ONLY COPY).

The authoritative reference and input builder live on the scoring server;
editing this copy changes nothing except your own understanding.
"""

import jax, jax.numpy as jnp
import numpy as np

N = 10000
E = 320000
H = 128   # hidden_channels
F = 128   # num_filters
G = 16    # num_gaussians
CUTOFF = 10.0


def _xavier(key, shape):
    fan_in, fan_out = shape
    limit = float(np.sqrt(6.0 / (fan_in + fan_out)))
    return jax.random.uniform(key, shape, jnp.float32, -limit, limit)


def setup_inputs(seed: int = 0) -> dict:
    key = jax.random.key(seed)
    ks = jax.random.split(key, 10)
    x = jax.random.normal(ks[0], (N, H), dtype=jnp.float32)
    edge_index = jax.random.randint(ks[1], (2, E), 0, N, dtype=jnp.int64)
    edge_weight = jax.random.uniform(ks[2], (E,), dtype=jnp.float32)
    edge_attr = jax.random.uniform(ks[3], (E, G), dtype=jnp.float32)
    # learned parameters (stored as [in, out] so y = x @ W + b)
    mlp_w1 = _xavier(ks[4], (G, F)); mlp_b1 = jnp.zeros((F,), jnp.float32)
    mlp_w2 = _xavier(ks[5], (F, F)); mlp_b2 = jnp.zeros((F,), jnp.float32)
    lin1_w = _xavier(ks[6], (H, F))                                   # CFConv.lin1, no bias
    lin2_w = _xavier(ks[7], (F, H)); lin2_b = jnp.zeros((H,), jnp.float32)  # CFConv.lin2
    lin_w = _xavier(ks[8], (H, H)); lin_b = jnp.zeros((H,), jnp.float32)    # block lin
    return {
        'x': x, 'edge_index': edge_index, 'edge_weight': edge_weight, 'edge_attr': edge_attr,
        'mlp_w1': mlp_w1, 'mlp_b1': mlp_b1, 'mlp_w2': mlp_w2, 'mlp_b2': mlp_b2,
        'lin1_w': lin1_w, 'lin2_w': lin2_w, 'lin2_b': lin2_b, 'lin_w': lin_w, 'lin_b': lin_b,
    }


def _ssp(v):
    # ShiftedSoftplus: softplus(x) - log(2)
    return jax.nn.softplus(v) - jnp.log(2.0)


def reference(x, edge_index, edge_weight, edge_attr,
              mlp_w1, mlp_b1, mlp_w2, mlp_b2,
              lin1_w, lin2_w, lin2_b, lin_w, lin_b):
    # Single edge type 'atom'; HeteroConv with aggr='sum' over one relation == plain CFConv.
    # CFConv (SchNet): cosine cutoff envelope on edge_weight, filter-generating MLP on edge_attr.
    C = 0.5 * (jnp.cos(edge_weight * jnp.pi / CUTOFF) + 1.0)
    W = _ssp(edge_attr @ mlp_w1 + mlp_b1) @ mlp_w2 + mlp_b2
    W = W * C[:, None]
    h = x @ lin1_w
    src = edge_index[0]
    dst = edge_index[1]
    msg = h[src] * W                                  # gather over 320k edges (memory-bound)
    agg = jax.ops.segment_sum(msg, dst, num_segments=N)  # scatter-add to dst nodes
    h2 = agg @ lin2_w + lin2_b
    # block: act then lin
    out = _ssp(h2) @ lin_w + lin_b
    return out

if __name__ == "__main__":
    import jax
    _d = setup_inputs()
    print(jax.jit(kernel)(*tuple(_d.values())))

</pallas_src>

<mosaic_0001>
#map = affine_map<(d0, d1) -> (0, 0)>
#map1 = affine_map<(d0, d1) -> (0, 0, 0)>
module attributes {stable_mosaic.version = 14 : i64} {
  func.func @_sc_body(%arg0: i32, %arg1: i32, %arg2: memref<10000x128xf32, #tpu.memory_space<hbm>>, %arg3: memref<2500x128x128xf32, #tpu.memory_space<hbm>>, %arg4: memref<2500x128xi32, #tpu.memory_space<hbm>>, %arg5: memref<2500x128xi32, #tpu.memory_space<hbm>>, %arg6: memref<2x10000x128xf32, #tpu.memory_space<hbm>>, %arg7: memref<10000x128xf32, #tpu.memory_space<vmem_shared>>, %arg8: memref<128x128xf32, #tpu.memory_space<vmem>>, %arg9: memref<128x128xf32, #tpu.memory_space<vmem>>, %arg10: memref<128xi32, #tpu.memory_space<vmem>>, %arg11: memref<128xi32, #tpu.memory_space<vmem>>, %arg12: memref<!tpu.dma_semaphore, #tpu.memory_space<semaphore_mem>>) attributes {dimension_semantics = [#tpu.dimension_semantics<core_parallel>, #tpu.dimension_semantics<subcore_parallel>], iteration_bounds = array<i64: 2, 16>, scalar_prefetch = 0 : i64, scratch_operands = 6 : i64, tpu.core_type = #tpu.core_type<sc_vector_subcore>, window_params = [{transform_indices = #map}, {transform_indices = #map1}, {transform_indices = #map}, {transform_indices = #map}, {transform_indices = #map1}]} {
    %mul3A = arith.constant 16 : i32
    %mul3A_0 = arith.muli %arg0, %mul3A : i32
    %add3A = arith.addi %mul3A_0, %arg1 : i32
    %scan3A = arith.constant 0 : i32
    %scan3A_1 = arith.constant 0 : i32
    %scan3A_2 = arith.constant 128 : i32
    %scan3A_3 = arith.addi %scan3A_1, %scan3A_2 : i32
    %scan3A_4 = arith.constant 1 : i32
    %scan3A_5 = scf.for %scan3A_40 = %scan3A_1 to %scan3A_3 step %scan3A_4 iter_args(%scan3A_41 = %scan3A) -> (i32)  : i32 {
      %broadcast_in_dim3A = arith.constant 0.000000e+00 : f32
      %broadcast_in_dim3A_42 = vector.broadcast %broadcast_in_dim3A : f32 to vector<16xf32>
      %swap3A = arith.index_cast %scan3A_40 : i32 to index
      %swap3A_43 = arith.constant 0 : index
      %swap3A_44 = tpu.vector_load %arg8[%swap3A, %swap3A_43] {strides = array<i32>} : memref<128x128xf32, #tpu.memory_space<vmem>>, vector<1x16xf32>,
      %swap3A_45 = vector.shape_cast %swap3A_44 : vector<1x16xf32> to vector<16xf32>
      %swap3A_46 = vector.shape_cast %broadcast_in_dim3A_42 : vector<16xf32> to vector<1x16xf32>
      tpu.vector_store %arg8[%swap3A, %swap3A_43], %swap3A_46 {strides = array<i32>} : memref<128x128xf32, #tpu.memory_space<vmem>>, vector<1x16xf32>,
      %broadcast_in_dim3A_47 = arith.constant 0.000000e+00 : f32
      %broadcast_in_dim3A_48 = vector.broadcast %broadcast_in_dim3A_47 : f32 to vector<16xf32>
      %swap3A_49 = arith.index_cast %scan3A_40 : i32 to index
      %swap3A_50 = arith.constant 16 : index
      %swap3A_51 = tpu.vector_load %arg8[%swap3A_49, %swap3A_50] {strides = array<i32>} : memref<128x128xf32, #tpu.memory_space<vmem>>, vector<1x16xf32>,
      %swap3A_52 = vector.shape_cast %swap3A_51 : vector<1x16xf32> to vector<16xf32>
      %swap3A_53 = vector.shape_cast %broadcast_in_dim3A_48 : vector<16xf32> to vector<1x16xf32>
      tpu.vector_store %arg8[%swap3A_49, %swap3A_50], %swap3A_53 {strides = array<i32>} : memref<128x128xf32, #tpu.memory_space<vmem>>, vector<1x16xf32>,
      %broadcast_in_dim3A_54 = arith.constant 0.000000e+00 : f32
      %broadcast_in_dim3A_55 = vector.broadcast %broadcast_in_dim3A_54 : f32 to vector<16xf32>
      %swap3A_56 = arith.index_cast %scan3A_40 : i32 to index
      %swap3A_57 = arith.constant 32 : index
      %swap3A_58 = tpu.vector_load %arg8[%swap3A_56, %swap3A_57] {strides = array<i32>} : memref<128x128xf32, #tpu.memory_space<vmem>>, vector<1x16xf32>,
      %swap3A_59 = vector.shape_cast %swap3A_58 : vector<1x16xf32> to vector<16xf32>
      %swap3A_60 = vector.shape_cast %broadcast_in_dim3A_55 : vector<16xf32> to vector<1x16xf32>
      tpu.vector_store %arg8[%swap3A_56, %swap3A_57], %swap3A_60 {strides = array<i32>} : memref<128x128xf32, #tpu.memory_space<vmem>>, vector<1x16xf32>,
      %broadcast_in_dim3A_61 = arith.constant 0.000000e+00 : f32
      %broadcast_in_dim3A_62 = vector.broadcast %broadcast_in_dim3A_61 : f32 to vector<16xf32>
      %swap3A_63 = arith.index_cast %scan3A_40 : i32 to index
      %swap3A_64 = arith.constant 48 : index
      %swap3A_65 = tpu.vector_load %arg8[%swap3A_63, %swap3A_64] {strides = array<i32>} : memref<128x128xf32, #tpu.memory_space<vmem>>, vector<1x16xf32>,
      %swap3A_66 = vector.shape_cast %swap3A_65 : vector<1x16xf32> to vector<16xf32>
      %swap3A_67 = vector.shape_cast %broadcast_in_dim3A_62 : vector<16xf32> to vector<1x16xf32>
      tpu.vector_store %arg8[%swap3A_63, %swap3A_64], %swap3A_67 {strides = array<i32>} : memref<128x128xf32, #tpu.memory_space<vmem>>, vector<1x16xf32>,
      %broadcast_in_dim3A_68 = arith.constant 0.000000e+00 : f32
      %broadcast_in_dim3A_69 = vector.broadcast %broadcast_in_dim3A_68 : f32 to vector<16xf32>
      %swap3A_70 = arith.index_cast %scan3A_40 : i32 to index
      %swap3A_71 = arith.constant 64 : index
      %swap3A_72 = tpu.vector_load %arg8[%swap3A_70, %swap3A_71] {strides = array<i32>} : memref<128x128xf32, #tpu.memory_space<vmem>>, vector<1x16xf32>,
      %swap3A_73 = vector.shape_cast %swap3A_72 : vector<1x16xf32> to vector<16xf32>
      %swap3A_74 = vector.shape_cast %broadcast_in_dim3A_69 : vector<16xf32> to vector<1x16xf32>
      tpu.vector_store %arg8[%swap3A_70, %swap3A_71], %swap3A_74 {strides = array<i32>} : memref<128x128xf32, #tpu.memory_space<vmem>>, vector<1x16xf32>,
      %broadcast_in_dim3A_75 = arith.constant 0.000000e+00 : f32
      %broadcast_in_dim3A_76 = vector.broadcast %broadcast_in_dim3A_75 : f32 to vector<16xf32>
      %swap3A_77 = arith.index_cast %scan3A_40 : i32 to index
      %swap3A_78 = arith.constant 80 : index
      %swap3A_79 = tpu.vector_load %arg8[%swap3A_77, %swap3A_78] {strides = array<i32>} : memref<128x128xf32, #tpu.memory_space<vmem>>, vector<1x16xf32>,
      %swap3A_80 = vector.shape_cast %swap3A_79 : vector<1x16xf32> to vector<16xf32>
      %swap3A_81 = vector.shape_cast %broadcast_in_dim3A_76 : vector<16xf32> to vector<1x16xf32>
      tpu.vector_store %arg8[%swap3A_77, %swap3A_78], %swap3A_81 {strides = array<i32>} : memref<128x128xf32, #tpu.memory_space<vmem>>, vector<1x16xf32>,
      %broadcast_in_dim3A_82 = arith.constant 0.000000e+00 : f32
      %broadcast_in_dim3A_83 = vector.broadcast %broadcast_in_dim3A_82 : f32 to vector<16xf32>
      %swap3A_84 = arith.index_cast %scan3A_40 : i32 to index
      %swap3A_85 = arith.constant 96 : index
      %swap3A_86 = tpu.vector_load %arg8[%swap3A_84, %swap3A_85] {strides = array<i32>} : memref<128x128xf32, #tpu.memory_space<vmem>>, vector<1x16xf32>,
      %swap3A_87 = vector.shape_cast %swap3A_86 : vector<1x16xf32> to vector<16xf32>
      %swap3A_88 = vector.shape_cast %broadcast_in_dim3A_83 : vector<16xf32> to vector<1x16xf32>
      tpu.vector_store %arg8[%swap3A_84, %swap3A_85], %swap3A_88 {strides = array<i32>} : memref<128x128xf32, #tpu.memory_space<vmem>>, vector<1x16xf32>,
      %broadcast_in_dim3A_89 = arith.constant 0.000000e+00 : f32
      %broadcast_in_dim3A_90 = vector.broadcast %broadcast_in_dim3A_89 : f32 to vector<16xf32>
      %swap3A_91 = arith.index_cast %scan3A_40 : i32 to index
      %swap3A_92 = arith.constant 112 : index
      %swap3A_93 = tpu.vector_load %arg8[%swap3A_91, %swap3A_92] {strides = array<i32>} : memref<128x128xf32, #tpu.memory_space<vmem>>, vector<1x16xf32>,
      %swap3A_94 = vector.shape_cast %swap3A_93 : vector<1x16xf32> to vector<16xf32>
      %swap3A_95 = vector.shape_cast %broadcast_in_dim3A_90 : vector<16xf32> to vector<1x16xf32>
      tpu.vector_store %arg8[%swap3A_91, %swap3A_92], %swap3A_95 {strides = array<i32>} : memref<128x128xf32, #tpu.memory_space<vmem>>, vector<1x16xf32>,
      %scan3A_96 = arith.constant 0 : i32
      scf.yield %scan3A_96 : i32
    }
    %scan3A_6 = arith.constant 128 : i32
    %mul3A_7 = arith.constant 624 : i32
    %mul3A_8 = arith.muli %arg1, %mul3A_7 : i32
    %add3A_9 = arith.constant 0 : i32
    %add3A_10 = arith.addi %mul3A_8, %add3A_9 : i32
    "tpu.region"() ({
      %run_scoped3A = tpu.sem_alloc : memref<!tpu.dma_semaphore, #tpu.memory_space<semaphore_mem>>
      %dma_start3A = arith.constant 0 : i32
      %dma_start3A_40 = tpu.memref_slice %arg7[%add3A_10, %dma_start3A] : memref<10000x128xf32, #tpu.memory_space<vmem_shared>> -> memref<128x128xf32, #tpu.memory_space<vmem_shared>>
      %dma_start3A_41 = arith.constant 0 : i32
      %dma_start3A_42 = tpu.memref_slice %arg7[%add3A_10, %dma_start3A_41] : memref<10000x128xf32, #tpu.memory_space<vmem_shared>> -> memref<128x128xf32, #tpu.memory_space<vmem_shared>>
      tpu.enqueue_dma source(%arg8 : memref<128x128xf32, #tpu.memory_space<vmem>>) target(%dma_start3A_42 : memref<128x128xf32, #tpu.memory_space<vmem_shared>>) target_semaphore(%run_scoped3A : memref<!tpu.dma_semaphore, #tpu.memory_space<semaphore_mem>>)
      %dma_wait3A = arith.constant 0 : i32
      %dma_wait3A_43 = tpu.memref_slice %arg7[%add3A_10, %dma_wait3A] : memref<10000x128xf32, #tpu.memory_space<vmem_shared>> -> memref<128x128xf32, #tpu.memory_space<vmem_shared>>
      %dma_wait3A_44 = arith.constant 0 : i32
      %dma_wait3A_45 = tpu.memref_slice %arg7[%add3A_10, %dma_wait3A_44] : memref<10000x128xf32, #tpu.memory_space<vmem_shared>> -> memref<128x128xf32, #tpu.memory_space<vmem_shared>>
      tpu.wait_dma2 semaphore(%run_scoped3A : memref<!tpu.dma_semaphore, #tpu.memory_space<semaphore_mem>>) src(%arg8 : memref<128x128xf32, #tpu.memory_space<vmem>>) dst(%dma_wait3A_45 : memref<128x128xf32, #tpu.memory_space<vmem_shared>>)
      tpu.yield
    }) : () -> ()
    %add3A_11 = arith.constant 128 : i32
    %add3A_12 = arith.addi %mul3A_8, %add3A_11 : i32
    "tpu.region"() ({
      %run_scoped3A = tpu.sem_alloc : memref<!tpu.dma_semaphore, #tpu.memory_space<semaphore_mem>>
      %dma_start3A = arith.constant 0 : i32
      %dma_start3A_40 = tpu.memref_slice %arg7[%add3A_12, %dma_start3A] : memref<10000x128xf32, #tpu.memory_space<vmem_shared>> -> memref<128x128xf32, #tpu.memory_space<vmem_shared>>
      %dma_start3A_41 = arith.constant 0 : i32
      %dma_start3A_42 = tpu.memref_slice %arg7[%add3A_12, %dma_start3A_41] : memref<10000x128xf32, #tpu.memory_space<vmem_shared>> -> memref<128x128xf32, #tpu.memory_space<vmem_shared>>
      tpu.enqueue_dma source(%arg8 : memref<128x128xf32, #tpu.memory_space<vmem>>) target(%dma_start3A_42 : memref<128x128xf32, #tpu.memory_space<vmem_shared>>) target_semaphore(%run_scoped3A : memref<!tpu.dma_semaphore, #tpu.memory_space<semaphore_mem>>)
      %dma_wait3A = arith.constant 0 : i32
      %dma_wait3A_43 = tpu.memref_slice %arg7[%add3A_12, %dma_wait3A] : memref<10000x128xf32, #tpu.memory_space<vmem_shared>> -> memref<128x128xf32, #tpu.memory_space<vmem_shared>>
      %dma_wait3A_44 = arith.constant 0 : i32
      %dma_wait3A_45 = tpu.memref_slice %arg7[%add3A_12, %dma_wait3A_44] : memref<10000x128xf32, #tpu.memory_space<vmem_shared>> -> memref<128x128xf32, #tpu.memory_space<vmem_shared>>
      tpu.wait_dma2 semaphore(%run_scoped3A : memref<!tpu.dma_semaphore, #tpu.memory_space<semaphore_mem>>) src(%arg8 : memref<128x128xf32, #tpu.memory_space<vmem>>) dst(%dma_wait3A_45 : memref<128x128xf32, #tpu.memory_space<vmem_shared>>)
      tpu.yield
    }) : () -> ()
    %add3A_13 = arith.constant 256 : i32
    %add3A_14 = arith.addi %mul3A_8, %add3A_13 : i32
    "tpu.region"() ({
      %run_scoped3A = tpu.sem_alloc : memref<!tpu.dma_semaphore, #tpu.memory_space<semaphore_mem>>
      %dma_start3A = arith.constant 0 : i32
      %dma_start3A_40 = tpu.memref_slice %arg7[%add3A_14, %dma_start3A] : memref<10000x128xf32, #tpu.memory_space<vmem_shared>> -> memref<128x128xf32, #tpu.memory_space<vmem_shared>>
      %dma_start3A_41 = arith.constant 0 : i32
      %dma_start3A_42 = tpu.memref_slice %arg7[%add3A_14, %dma_start3A_41] : memref<10000x128xf32, #tpu.memory_space<vmem_shared>> -> memref<128x128xf32, #tpu.memory_space<vmem_shared>>
      tpu.enqueue_dma source(%arg8 : memref<128x128xf32, #tpu.memory_space<vmem>>) target(%dma_start3A_42 : memref<128x128xf32, #tpu.memory_space<vmem_shared>>) target_semaphore(%run_scoped3A : memref<!tpu.dma_semaphore, #tpu.memory_space<semaphore_mem>>)
      %dma_wait3A = arith.constant 0 : i32
      %dma_wait3A_43 = tpu.memref_slice %arg7[%add3A_14, %dma_wait3A] : memref<10000x128xf32, #tpu.memory_space<vmem_shared>> -> memref<128x128xf32, #tpu.memory_space<vmem_shared>>
      %dma_wait3A_44 = arith.constant 0 : i32
      %dma_wait3A_45 = tpu.memref_slice %arg7[%add3A_14, %dma_wait3A_44] : memref<10000x128xf32, #tpu.memory_space<vmem_shared>> -> memref<128x128xf32, #tpu.memory_space<vmem_shared>>
      tpu.wait_dma2 semaphore(%run_scoped3A : memref<!tpu.dma_semaphore, #tpu.memory_space<semaphore_mem>>) src(%arg8 : memref<128x128xf32, #tpu.memory_space<vmem>>) dst(%dma_wait3A_45 : memref<128x128xf32, #tpu.memory_space<vmem_shared>>)
      tpu.yield
    }) : () -> ()
    %add3A_15 = arith.constant 384 : i32
    %add3A_16 = arith.addi %mul3A_8, %add3A_15 : i32
    "tpu.region"() ({
      %run_scoped3A = tpu.sem_alloc : memref<!tpu.dma_semaphore, #tpu.memory_space<semaphore_mem>>
      %dma_start3A = arith.constant 0 : i32
      %dma_start3A_40 = tpu.memref_slice %arg7[%add3A_16, %dma_start3A] : memref<10000x128xf32, #tpu.memory_space<vmem_shared>> -> memref<128x128xf32, #tpu.memory_space<vmem_shared>>
      %dma_start3A_41 = arith.constant 0 : i32
      %dma_start3A_42 = tpu.memref_slice %arg7[%add3A_16, %dma_start3A_41] : memref<10000x128xf32, #tpu.memory_space<vmem_shared>> -> memref<128x128xf32, #tpu.memory_space<vmem_shared>>
      tpu.enqueue_dma source(%arg8 : memref<128x128xf32, #tpu.memory_space<vmem>>) target(%dma_start3A_42 : memref<128x128xf32, #tpu.memory_space<vmem_shared>>) target_semaphore(%run_scoped3A : memref<!tpu.dma_semaphore, #tpu.memory_space<semaphore_mem>>)
      %dma_wait3A = arith.constant 0 : i32
      %dma_wait3A_43 = tpu.memref_slice %arg7[%add3A_16, %dma_wait3A] : memref<10000x128xf32, #tpu.memory_space<vmem_shared>> -> memref<128x128xf32, #tpu.memory_space<vmem_shared>>
      %dma_wait3A_44 = arith.constant 0 : i32
      %dma_wait3A_45 = tpu.memref_slice %arg7[%add3A_16, %dma_wait3A_44] : memref<10000x128xf32, #tpu.memory_space<vmem_shared>> -> memref<128x128xf32, #tpu.memory_space<vmem_shared>>
      tpu.wait_dma2 semaphore(%run_scoped3A : memref<!tpu.dma_semaphore, #tpu.memory_space<semaphore_mem>>) src(%arg8 : memref<128x128xf32, #tpu.memory_space<vmem>>) dst(%dma_wait3A_45 : memref<128x128xf32, #tpu.memory_space<vmem_shared>>)
      tpu.yield
    }) : () -> ()
    %add3A_17 = arith.constant 512 : i32
    %add3A_18 = arith.addi %mul3A_8, %add3A_17 : i32
    "tpu.region"() ({
      %run_scoped3A = tpu.sem_alloc : memref<!tpu.dma_semaphore, #tpu.memory_space<semaphore_mem>>
      %dma_start3A = arith.constant 0 : i32
      %dma_start3A_40 = arith.constant 0 : i32
      %dma_start3A_41 = tpu.memref_slice %arg8[%dma_start3A, %dma_start3A_40] : memref<128x128xf32, #tpu.memory_space<vmem>> -> memref<112x128xf32, #tpu.memory_space<vmem>>
      %dma_start3A_42 = arith.constant 0 : i32
      %dma_start3A_43 = tpu.memref_slice %arg7[%add3A_18, %dma_start3A_42] : memref<10000x128xf32, #tpu.memory_space<vmem_shared>> -> memref<112x128xf32, #tpu.memory_space<vmem_shared>>
      %dma_start3A_44 = arith.constant 0 : i32
      %dma_start3A_45 = tpu.memref_slice %arg7[%add3A_18, %dma_start3A_44] : memref<10000x128xf32, #tpu.memory_space<vmem_shared>> -> memref<112x128xf32, #tpu.memory_space<vmem_shared>>
      %dma_start3A_46 = arith.constant 0 : i32
      %dma_start3A_47 = arith.constant 0 : i32
      %dma_start3A_48 = tpu.memref_slice %arg8[%dma_start3A_46, %dma_start3A_47] : memref<128x128xf32, #tpu.memory_space<vmem>> -> memref<112x128xf32, #tpu.memory_space<vmem>>
      tpu.enqueue_dma source(%dma_start3A_48 : memref<112x128xf32, #tpu.memory_space<vmem>>) target(%dma_start3A_45 : memref<112x128xf32, #tpu.memory_space<vmem_shared>>) target_semaphore(%run_scoped3A : memref<!tpu.dma_semaphore, #tpu.memory_space<semaphore_mem>>)
      %dma_wait3A = arith.constant 0 : i32
      %dma_wait3A_49 = arith.constant 0 : i32
      %dma_wait3A_50 = tpu.memref_slice %arg8[%dma_wait3A, %dma_wait3A_49] : memref<128x128xf32, #tpu.memory_space<vmem>> -> memref<112x128xf32, #tpu.memory_space<vmem>>
      %dma_wait3A_51 = arith.constant 0 : i32
      %dma_wait3A_52 = tpu.memref_slice %arg7[%add3A_18, %dma_wait3A_51] : memref<10000x128xf32, #tpu.memory_space<vmem_shared>> -> memref<112x128xf32, #tpu.memory_space<vmem_shared>>
      %dma_wait3A_53 = arith.constant 0 : i32
      %dma_wait3A_54 = tpu.memref_slice %arg7[%add3A_18, %dma_wait3A_53] : memref<10000x128xf32, #tpu.memory_space<vmem_shared>> -> memref<112x128xf32, #tpu.memory_space<vmem_shared>>
      %dma_wait3A_55 = arith.constant 0 : i32
      %dma_wait3A_56 = arith.constant 0 : i32
      %dma_wait3A_57 = tpu.memref_slice %arg8[%dma_wait3A_55, %dma_wait3A_56] : memref<128x128xf32, #tpu.memory_space<vmem>> -> memref<112x128xf32, #tpu.memory_space<vmem>>
      tpu.wait_dma2 semaphore(%run_scoped3A : memref<!tpu.dma_semaphore, #tpu.memory_space<semaphore_mem>>) src(%dma_wait3A_57 : memref<112x128xf32, #tpu.memory_space<vmem>>) dst(%dma_wait3A_54 : memref<112x128xf32, #tpu.memory_space<vmem_shared>>)
      tpu.yield
    }) : () -> ()
    %eq3A = arith.constant 15 : i32
    %eq3A_19 = arith.cmpi eq, %arg1, %eq3A : i32
    %convert_element_type3A = arith.extui %eq3A_19 : i1 to i32
    %cond3A = arith.constant 0 : i32
    %cond3A_20 = arith.cmpi ne, %convert_element_type3A, %cond3A : i32
    scf.if %cond3A_20 {
      "tpu.region"() ({
        %run_scoped3A = tpu.sem_alloc : memref<!tpu.dma_semaphore, #tpu.memory_space<semaphore_mem>>
        %dma_start3A = arith.constant 0 : i32
        %dma_start3A_40 = arith.constant 0 : i32
        %dma_start3A_41 = tpu.memref_slice %arg8[%dma_start3A, %dma_start3A_40] : memref<128x128xf32, #tpu.memory_space<vmem>> -> memref<16x128xf32, #tpu.memory_space<vmem>>
        %dma_start3A_42 = arith.constant 9984 : i32
        %dma_start3A_43 = arith.constant 0 : i32
        %dma_start3A_44 = tpu.memref_slice %arg7[%dma_start3A_42, %dma_start3A_43] : memref<10000x128xf32, #tpu.memory_space<vmem_shared>> -> memref<16x128xf32, #tpu.memory_space<vmem_shared>>
        %dma_start3A_45 = arith.constant 9984 : i32
        %dma_start3A_46 = arith.constant 0 : i32
        %dma_start3A_47 = tpu.memref_slice %arg7[%dma_start3A_45, %dma_start3A_46] : memref<10000x128xf32, #tpu.memory_space<vmem_shared>> -> memref<16x128xf32, #tpu.memory_space<vmem_shared>>
        %dma_start3A_48 = arith.constant 0 : i32
        %dma_start3A_49 = arith.constant 0 : i32
        %dma_start3A_50 = tpu.memref_slice %arg8[%dma_start3A_48, %dma_start3A_49] : memref<128x128xf32, #tpu.memory_space<vmem>> -> memref<16x128xf32, #tpu.memory_space<vmem>>
        tpu.enqueue_dma source(%dma_start3A_50 : memref<16x128xf32, #tpu.memory_space<vmem>>) target(%dma_start3A_47 : memref<16x128xf32, #tpu.memory_space<vmem_shared>>) target_semaphore(%run_scoped3A : memref<!tpu.dma_semaphore, #tpu.memory_space<semaphore_mem>>)
        %dma_wait3A = arith.constant 0 : i32
        %dma_wait3A_51 = arith.constant 0 : i32
        %dma_wait3A_52 = tpu.memref_slice %arg8[%dma_wait3A, %dma_wait3A_51] : memref<128x128xf32, #tpu.memory_space<vmem>> -> memref<16x128xf32, #tpu.memory_space<vmem>>
        %dma_wait3A_53 = arith.constant 9984 : i32
        %dma_wait3A_54 = arith.constant 0 : i32
        %dma_wait3A_55 = tpu.memref_slice %arg7[%dma_wait3A_53, %dma_wait3A_54] : memref<10000x128xf32, #tpu.memory_space<vmem_shared>> -> memref<16x128xf32, #tpu.memory_space<vmem_shared>>
        %dma_wait3A_56 = arith.constant 9984 : i32
        %dma_wait3A_57 = arith.constant 0 : i32
        %dma_wait3A_58 = tpu.memref_slice %arg7[%dma_wait3A_56, %dma_wait3A_57] : memref<10000x128xf32, #tpu.memory_space<vmem_shared>> -> memref<16x128xf32, #tpu.memory_space<vmem_shared>>
        %dma_wait3A_59 = arith.constant 0 : i32
        %dma_wait3A_60 = arith.constant 0 : i32
        %dma_wait3A_61 = tpu.memref_slice %arg8[%dma_wait3A_59, %dma_wait3A_60] : memref<128x128xf32, #tpu.memory_space<vmem>> -> memref<16x128xf32, #tpu.memory_space<vmem>>
        tpu.wait_dma2 semaphore(%run_scoped3A : memref<!tpu.dma_semaphore, #tpu.memory_space<semaphore_mem>>) src(%dma_wait3A_61 : memref<16x128xf32, #tpu.memory_space<vmem>>) dst(%dma_wait3A_58 : memref<16x128xf32, #tpu.memory_space<vmem_shared>>)
        tpu.yield
      }) : () -> ()
    } else {
    }
    %barrier3A = arith.constant 0 : index
    tpu.barrier barrier_id(%barrier3A)
    %mul3A_21 = arith.constant 78 : i32
    %mul3A_22 = arith.muli %add3A, %mul3A_21 : i32
    %min3A = arith.constant 4 : i32
    %min3A_23 = arith.minsi %add3A, %min3A : i32
    %add3A_24 = arith.addi %mul3A_22, %min3A_23 : i32
    %lt3A = arith.constant 4 : i32
    %lt3A_25 = arith.cmpi slt, %add3A, %lt3A : i32
    %jit3A = arith.constant 79 : i32
    %jit3A_26 = arith.constant 78 : i32
    %select_n3A = arith.select %lt3A_25, %jit3A, %jit3A_26 : i32
    %scan3A_27 = arith.constant 0 : i32
    %scan3A_28 = arith.constant 0 : i32
    %scan3A_29 = arith.constant 79 : i32
    %scan3A_30 = arith.addi %scan3A_28, %scan3A_29 : i32
    %scan3A_31 = arith.constant 1 : i32
    %scan3A_32 = scf.for %scan3A_40 = %scan3A_28 to %scan3A_30 step %scan3A_31 iter_args(%scan3A_41 = %scan3A_27) -> (i32)  : i32 {
      %lt3A_42 = arith.cmpi slt, %scan3A_40, %select_n3A : i32
      %convert_element_type3A_43 = arith.extui %lt3A_42 : i1 to i32
      %cond3A_44 = arith.constant 0 : i32
      %cond3A_45 = arith.cmpi ne, %convert_element_type3A_43, %cond3A_44 : i32
      scf.if %cond3A_45 {
        %add3A_47 = arith.addi %add3A_24, %scan3A_40 : i32
        "tpu.region"() ({
          %run_scoped3A = tpu.sem_alloc : memref<!tpu.dma_semaphore, #tpu.memory_space<semaphore_mem>>
          %dma_start3A_59 = arith.constant 0 : i32
          %dma_start3A_60 = tpu.memref_slice %arg4[%add3A_47, %dma_start3A_59] : memref<2500x128xi32, #tpu.memory_space<hbm>> -> memref<1x128xi32, #tpu.memory_space<hbm>>
          %dma_start3A_61 = tpu.memref_squeeze %dma_start3A_60 : memref<1x128xi32, #tpu.memory_space<hbm>> -> memref<128xi32, #tpu.memory_space<hbm>>
          %dma_start3A_62 = arith.constant 0 : i32
          %dma_start3A_63 = tpu.memref_slice %arg4[%add3A_47, %dma_start3A_62] : memref<2500x128xi32, #tpu.memory_space<hbm>> -> memref<1x128xi32, #tpu.memory_space<hbm>>
          %dma_start3A_64 = tpu.memref_squeeze %dma_start3A_63 : memref<1x128xi32, #tpu.memory_space<hbm>> -> memref<128xi32, #tpu.memory_space<hbm>>
          tpu.enqueue_dma source(%dma_start3A_64 : memref<128xi32, #tpu.memory_space<hbm>>) target(%arg10 : memref<128xi32, #tpu.memory_space<vmem>>) target_semaphore(%run_scoped3A : memref<!tpu.dma_semaphore, #tpu.memory_space<semaphore_mem>>)
          %dma_wait3A_65 = arith.constant 0 : i32
          %dma_wait3A_66 = tpu.memref_slice %arg4[%add3A_47, %dma_wait3A_65] : memref<2500x128xi32, #tpu.memory_space<hbm>> -> memref<1x128xi32, #tpu.memory_space<hbm>>
          %dma_wait3A_67 = tpu.memref_squeeze %dma_wait3A_66 : memref<1x128xi32, #tpu.memory_space<hbm>> -> memref<128xi32, #tpu.memory_space<hbm>>
          %dma_wait3A_68 = arith.constant 0 : i32
          %dma_wait3A_69 = tpu.memref_slice %arg4[%add3A_47, %dma_wait3A_68] : memref<2500x128xi32, #tpu.memory_space<hbm>> -> memref<1x128xi32, #tpu.memory_space<hbm>>
          %dma_wait3A_70 = tpu.memref_squeeze %dma_wait3A_69 : memref<1x128xi32, #tpu.memory_space<hbm>> -> memref<128xi32, #tpu.memory_space<hbm>>
          tpu.wait_dma2 semaphore(%run_scoped3A : memref<!tpu.dma_semaphore, #tpu.memory_space<semaphore_mem>>) src(%dma_wait3A_70 : memref<128xi32, #tpu.memory_space<hbm>>) dst(%arg10 : memref<128xi32, #tpu.memory_space<vmem>>)
          tpu.yield
        }) : () -> ()
        "tpu.region"() ({
          %run_scoped3A = tpu.sem_alloc : memref<!tpu.dma_semaphore, #tpu.memory_space<semaphore_mem>>
          %dma_start3A_59 = arith.constant 0 : i32
          %dma_start3A_60 = tpu.memref_slice %arg5[%add3A_47, %dma_start3A_59] : memref<2500x128xi32, #tpu.memory_space<hbm>> -> memref<1x128xi32, #tpu.memory_space<hbm>>
          %dma_start3A_61 = tpu.memref_squeeze %dma_start3A_60 : memref<1x128xi32, #tpu.memory_space<hbm>> -> memref<128xi32, #tpu.memory_space<hbm>>
          %dma_start3A_62 = arith.constant 0 : i32
          %dma_start3A_63 = tpu.memref_slice %arg5[%add3A_47, %dma_start3A_62] : memref<2500x128xi32, #tpu.memory_space<hbm>> -> memref<1x128xi32, #tpu.memory_space<hbm>>
          %dma_start3A_64 = tpu.memref_squeeze %dma_start3A_63 : memref<1x128xi32, #tpu.memory_space<hbm>> -> memref<128xi32, #tpu.memory_space<hbm>>
          tpu.enqueue_dma source(%dma_start3A_64 : memref<128xi32, #tpu.memory_space<hbm>>) target(%arg11 : memref<128xi32, #tpu.memory_space<vmem>>) target_semaphore(%run_scoped3A : memref<!tpu.dma_semaphore, #tpu.memory_space<semaphore_mem>>)
          %dma_wait3A_65 = arith.constant 0 : i32
          %dma_wait3A_66 = tpu.memref_slice %arg5[%add3A_47, %dma_wait3A_65] : memref<2500x128xi32, #tpu.memory_space<hbm>> -> memref<1x128xi32, #tpu.memory_space<hbm>>
          %dma_wait3A_67 = tpu.memref_squeeze %dma_wait3A_66 : memref<1x128xi32, #tpu.memory_space<hbm>> -> memref<128xi32, #tpu.memory_space<hbm>>
          %dma_wait3A_68 = arith.constant 0 : i32
          %dma_wait3A_69 = tpu.memref_slice %arg5[%add3A_47, %dma_wait3A_68] : memref<2500x128xi32, #tpu.memory_space<hbm>> -> memref<1x128xi32, #tpu.memory_space<hbm>>
          %dma_wait3A_70 = tpu.memref_squeeze %dma_wait3A_69 : memref<1x128xi32, #tpu.memory_space<hbm>> -> memref<128xi32, #tpu.memory_space<hbm>>
          tpu.wait_dma2 semaphore(%run_scoped3A : memref<!tpu.dma_semaphore, #tpu.memory_space<semaphore_mem>>) src(%dma_wait3A_70 : memref<128xi32, #tpu.memory_space<hbm>>) dst(%arg11 : memref<128xi32, #tpu.memory_space<vmem>>)
          tpu.yield
        }) : () -> ()
        %dma_start3A = arith.constant 0 : i32
        %dma_start3A_48 = arith.constant 0 : i32
        %dma_start3A_49 = tpu.memref_slice %arg2[%dma_start3A, %dma_start3A_48] : memref<10000x128xf32, #tpu.memory_space<hbm>> -> memref<10000x128xf32, #tpu.memory_space<hbm>>
        tpu.enqueue_indirect_dma source(%dma_start3A_49 : memref<10000x128xf32, #tpu.memory_space<hbm>>) target(%arg8 : memref<128x128xf32, #tpu.memory_space<vmem>>) offsets(%arg10 : memref<128xi32, #tpu.memory_space<vmem>>) semaphore(%arg12 : memref<!tpu.dma_semaphore, #tpu.memory_space<semaphore_mem>>)
        %dma_wait3A = arith.constant 0 : i32
        %dma_wait3A_50 = arith.constant 0 : i32
        %dma_wait3A_51 = tpu.memref_slice %arg2[%dma_wait3A, %dma_wait3A_50] : memref<10000x128xf32, #tpu.memory_space<hbm>> -> memref<10000x128xf32, #tpu.memory_space<hbm>>
        tpu.wait_indirect_dma semaphore(%arg12 : memref<!tpu.dma_semaphore, #tpu.memory_space<semaphore_mem>>) src(%dma_wait3A_51 : memref<10000x128xf32, #tpu.memory_space<hbm>>) dst(%arg8 : memref<128x128xf32, #tpu.memory_space<vmem>>)
        "tpu.region"() ({
          %run_scoped3A = tpu.sem_alloc : memref<!tpu.dma_semaphore, #tpu.memory_space<semaphore_mem>>
          %dma_start3A_59 = arith.constant 0 : i32
          %dma_start3A_60 = arith.constant 0 : i32
          %dma_start3A_61 = tpu.memref_slice %arg3[%add3A_47, %dma_start3A_59, %dma_start3A_60] : memref<2500x128x128xf32, #tpu.memory_space<hbm>> -> memref<1x128x128xf32, #tpu.memory_space<hbm>>
          %dma_start3A_62 = tpu.memref_squeeze %dma_start3A_61 : memref<1x128x128xf32, #tpu.memory_space<hbm>> -> memref<128x128xf32, #tpu.memory_space<hbm>>
          %dma_start3A_63 = arith.constant 0 : i32
          %dma_start3A_64 = arith.constant 0 : i32
          %dma_start3A_65 = tpu.memref_slice %arg3[%add3A_47, %dma_start3A_63, %dma_start3A_64] : memref<2500x128x128xf32, #tpu.memory_space<hbm>> -> memref<1x128x128xf32, #tpu.memory_space<hbm>>
          %dma_start3A_66 = tpu.memref_squeeze %dma_start3A_65 : memref<1x128x128xf32, #tpu.memory_space<hbm>> -> memref<128x128xf32, #tpu.memory_space<hbm>>
          tpu.enqueue_dma source(%dma_start3A_66 : memref<128x128xf32, #tpu.memory_space<hbm>>) target(%arg9 : memref<128x128xf32, #tpu.memory_space<vmem>>) target_semaphore(%run_scoped3A : memref<!tpu.dma_semaphore, #tpu.memory_space<semaphore_mem>>)
          %dma_wait3A_67 = arith.constant 0 : i32
          %dma_wait3A_68 = arith.constant 0 : i32
          %dma_wait3A_69 = tpu.memref_slice %arg3[%add3A_47, %dma_wait3A_67, %dma_wait3A_68] : memref<2500x128x128xf32, #tpu.memory_space<hbm>> -> memref<1x128x128xf32, #tpu.memory_space<hbm>>
          %dma_wait3A_70 = tpu.memref_squeeze %dma_wait3A_69 : memref<1x128x128xf32, #tpu.memory_space<hbm>> -> memref<128x128xf32, #tpu.memory_space<hbm>>
          %dma_wait3A_71 = arith.constant 0 : i32
          %dma_wait3A_72 = arith.constant 0 : i32
          %dma_wait3A_73 = tpu.memref_slice %arg3[%add3A_47, %dma_wait3A_71, %dma_wait3A_72] : memref<2500x128x128xf32, #tpu.memory_space<hbm>> -> memref<1x128x128xf32, #tpu.memory_space<hbm>>
          %dma_wait3A_74 = tpu.memref_squeeze %dma_wait3A_73 : memref<1x128x128xf32, #tpu.memory_space<hbm>> -> memref<128x128xf32, #tpu.memory_space<hbm>>
          tpu.wait_dma2 semaphore(%run_scoped3A : memref<!tpu.dma_semaphore, #tpu.memory_space<semaphore_mem>>) src(%dma_wait3A_74 : memref<128x128xf32, #tpu.memory_space<hbm>>) dst(%arg9 : memref<128x128xf32, #tpu.memory_space<vmem>>)
          tpu.yield
        }) : () -> ()
        %scan3A_52 = arith.constant 0 : i32
        %scan3A_53 = arith.constant 0 : i32
        %scan3A_54 = arith.constant 128 : i32
        %scan3A_55 = arith.addi %scan3A_53, %scan3A_54 : i32
        %scan3A_56 = arith.constant 1 : i32
        %scan3A_57 = scf.for %scan3A_59 = %scan3A_53 to %scan3A_55 step %scan3A_56 iter_args(%scan3A_60 = %scan3A_52) -> (i32)  : i32 {
          %get3A = arith.index_cast %scan3A_59 : i32 to index
          %get3A_61 = arith.constant 0 : index
          %get3A_62 = tpu.vector_load %arg8[%get3A, %get3A_61] {strides = array<i32>} : memref<128x128xf32, #tpu.memory_space<vmem>>, vector<1x16xf32>,
          %get3A_63 = vector.shape_cast %get3A_62 : vector<1x16xf32> to vector<16xf32>
          %get3A_64 = arith.index_cast %scan3A_59 : i32 to index
          %get3A_65 = arith.constant 0 : index
          %get3A_66 = tpu.vector_load %arg9[%get3A_64, %get3A_65] {strides = array<i32>} : memref<128x128xf32, #tpu.memory_space<vmem>>, vector<1x16xf32>,
          %get3A_67 = vector.shape_cast %get3A_66 : vector<1x16xf32> to vector<16xf32>
          %mul3A_68 = arith.mulf %get3A_63, %get3A_67 : vector<16xf32>
          %swap3A = arith.index_cast %scan3A_59 : i32 to index
          %swap3A_69 = arith.constant 0 : index
          %swap3A_70 = tpu.vector_load %arg8[%swap3A, %swap3A_69] {strides = array<i32>} : memref<128x128xf32, #tpu.memory_space<vmem>>, vector<1x16xf32>,
          %swap3A_71 = vector.shape_cast %swap3A_70 : vector<1x16xf32> to vector<16xf32>
          %swap3A_72 = vector.shape_cast %mul3A_68 : vector<16xf32> to vector<1x16xf32>
          tpu.vector_store %arg8[%swap3A, %swap3A_69], %swap3A_72 {strides = array<i32>} : memref<128x128xf32, #tpu.memory_space<vmem>>, vector<1x16xf32>,
          %get3A_73 = arith.index_cast %scan3A_59 : i32 to index
          %get3A_74 = arith.constant 16 : index
          %get3A_75 = tpu.vector_load %arg8[%get3A_73, %get3A_74] {strides = array<i32>} : memref<128x128xf32, #tpu.memory_space<vmem>>, vector<1x16xf32>,
          %get3A_76 = vector.shape_cast %get3A_75 : vector<1x16xf32> to vector<16xf32>
          %get3A_77 = arith.index_cast %scan3A_59 : i32 to index
          %get3A_78 = arith.constant 16 : index
          %get3A_79 = tpu.vector_load %arg9[%get3A_77, %get3A_78] {strides = array<i32>} : memref<128x128xf32, #tpu.memory_space<vmem>>, vector<1x16xf32>,
          %get3A_80 = vector.shape_cast %get3A_79 : vector<1x16xf32> to vector<16xf32>
          %mul3A_81 = arith.mulf %get3A_76, %get3A_80 : vector<16xf32>
          %swap3A_82 = arith.index_cast %scan3A_59 : i32 to index
          %swap3A_83 = arith.constant 16 : index
          %swap3A_84 = tpu.vector_load %arg8[%swap3A_82, %swap3A_83] {strides = array<i32>} : memref<128x128xf32, #tpu.memory_space<vmem>>, vector<1x16xf32>,
          %swap3A_85 = vector.shape_cast %swap3A_84 : vector<1x16xf32> to vector<16xf32>
          %swap3A_86 = vector.shape_cast %mul3A_81 : vector<16xf32> to vector<1x16xf32>
          tpu.vector_store %arg8[%swap3A_82, %swap3A_83], %swap3A_86 {strides = array<i32>} : memref<128x128xf32, #tpu.memory_space<vmem>>, vector<1x16xf32>,
          %get3A_87 = arith.index_cast %scan3A_59 : i32 to index
          %get3A_88 = arith.constant 32 : index
          %get3A_89 = tpu.vector_load %arg8[%get3A_87, %get3A_88] {strides = array<i32>} : memref<128x128xf32, #tpu.memory_space<vmem>>, vector<1x16xf32>,
          %get3A_90 = vector.shape_cast %get3A_89 : vector<1x16xf32> to vector<16xf32>
          %get3A_91 = arith.index_cast %scan3A_59 : i32 to index
          %get3A_92 = arith.constant 32 : index
          %get3A_93 = tpu.vector_load %arg9[%get3A_91, %get3A_92] {strides = array<i32>} : memref<128x128xf32, #tpu.memory_space<vmem>>, vector<1x16xf32>,
          %get3A_94 = vector.shape_cast %get3A_93 : vector<1x16xf32> to vector<16xf32>
          %mul3A_95 = arith.mulf %get3A_90, %get3A_94 : vector<16xf32>
          %swap3A_96 = arith.index_cast %scan3A_59 : i32 to index
          %swap3A_97 = arith.constant 32 : index
          %swap3A_98 = tpu.vector_load %arg8[%swap3A_96, %swap3A_97] {strides = array<i32>} : memref<128x128xf32, #tpu.memory_space<vmem>>, vector<1x16xf32>,
          %swap3A_99 = vector.shape_cast %swap3A_98 : vector<1x16xf32> to vector<16xf32>
          %swap3A_100 = vector.shape_cast %mul3A_95 : vector<16xf32> to vector<1x16xf32>
          tpu.vector_store %arg8[%swap3A_96, %swap3A_97], %swap3A_100 {strides = array<i32>} : memref<128x128xf32, #tpu.memory_space<vmem>>, vector<1x16xf32>,
          %get3A_101 = arith.index_cast %scan3A_59 : i32 to index
          %get3A_102 = arith.constant 48 : index
          %get3A_103 = tpu.vector_load %arg8[%get3A_101, %get3A_102] {strides = array<i32>} : memref<128x128xf32, #tpu.memory_space<vmem>>, vector<1x16xf32>,
          %get3A_104 = vector.shape_cast %get3A_103 : vector<1x16xf32> to vector<16xf32>
          %get3A_105 = arith.index_cast %scan3A_59 : i32 to index
          %get3A_106 = arith.constant 48 : index
          %get3A_107 = tpu.vector_load %arg9[%get3A_105, %get3A_106] {strides = array<i32>} : memref<128x128xf32, #tpu.memory_space<vmem>>, vector<1x16xf32>,
          %get3A_108 = vector.shape_cast %get3A_107 : vector<1x16xf32> to vector<16xf32>
          %mul3A_109 = arith.mulf %get3A_104, %get3A_108 : vector<16xf32>
          %swap3A_110 = arith.index_cast %scan3A_59 : i32 to index
          %swap3A_111 = arith.constant 48 : index
          %swap3A_112 = tpu.vector_load %arg8[%swap3A_110, %swap3A_111] {strides = array<i32>} : memref<128x128xf32, #tpu.memory_space<vmem>>, vector<1x16xf32>,
          %swap3A_113 = vector.shape_cast %swap3A_112 : vector<1x16xf32> to vector<16xf32>
          %swap3A_114 = vector.shape_cast %mul3A_109 : vector<16xf32> to vector<1x16xf32>
          tpu.vector_store %arg8[%swap3A_110, %swap3A_111], %swap3A_114 {strides = array<i32>} : memref<128x128xf32, #tpu.memory_space<vmem>>, vector<1x16xf32>,
          %get3A_115 = arith.index_cast %scan3A_59 : i32 to index
          %get3A_116 = arith.constant 64 : index
          %get3A_117 = tpu.vector_load %arg8[%get3A_115, %get3A_116] {strides = array<i32>} : memref<128x128xf32, #tpu.memory_space<vmem>>, vector<1x16xf32>,
          %get3A_118 = vector.shape_cast %get3A_117 : vector<1x16xf32> to vector<16xf32>
          %get3A_119 = arith.index_cast %scan3A_59 : i32 to index
          %get3A_120 = arith.constant 64 : index
          %get3A_121 = tpu.vector_load %arg9[%get3A_119, %get3A_120] {strides = array<i32>} : memref<128x128xf32, #tpu.memory_space<vmem>>, vector<1x16xf32>,
          %get3A_122 = vector.shape_cast %get3A_121 : vector<1x16xf32> to vector<16xf32>
          %mul3A_123 = arith.mulf %get3A_118, %get3A_122 : vector<16xf32>
          %swap3A_124 = arith.index_cast %scan3A_59 : i32 to index
          %swap3A_125 = arith.constant 64 : index
          %swap3A_126 = tpu.vector_load %arg8[%swap3A_124, %swap3A_125] {strides = array<i32>} : memref<128x128xf32, #tpu.memory_space<vmem>>, vector<1x16xf32>,
          %swap3A_127 = vector.shape_cast %swap3A_126 : vector<1x16xf32> to vector<16xf32>
          %swap3A_128 = vector.shape_cast %mul3A_123 : vector<16xf32> to vector<1x16xf32>
          tpu.vector_store %arg8[%swap3A_124, %swap3A_125], %swap3A_128 {strides = array<i32>} : memref<128x128xf32, #tpu.memory_space<vmem>>, vector<1x16xf32>,
          %get3A_129 = arith.index_cast %scan3A_59 : i32 to index
          %get3A_130 = arith.constant 80 : index
          %get3A_131 = tpu.vector_load %arg8[%get3A_129, %get3A_130] {strides = array<i32>} : memref<128x128xf32, #tpu.memory_space<vmem>>, vector<1x16xf32>,
          %get3A_132 = vector.shape_cast %get3A_131 : vector<1x16xf32> to vector<16xf32>
          %get3A_133 = arith.index_cast %scan3A_59 : i32 to index
          %get3A_134 = arith.constant 80 : index
          %get3A_135 = tpu.vector_load %arg9[%get3A_133, %get3A_134] {strides = array<i32>} : memref<128x128xf32, #tpu.memory_space<vmem>>, vector<1x16xf32>,
          %get3A_136 = vector.shape_cast %get3A_135 : vector<1x16xf32> to vector<16xf32>
          %mul3A_137 = arith.mulf %get3A_132, %get3A_136 : vector<16xf32>
          %swap3A_138 = arith.index_cast %scan3A_59 : i32 to index
          %swap3A_139 = arith.constant 80 : index
          %swap3A_140 = tpu.vector_load %arg8[%swap3A_138, %swap3A_139] {strides = array<i32>} : memref<128x128xf32, #tpu.memory_space<vmem>>, vector<1x16xf32>,
          %swap3A_141 = vector.shape_cast %swap3A_140 : vector<1x16xf32> to vector<16xf32>
          %swap3A_142 = vector.shape_cast %mul3A_137 : vector<16xf32> to vector<1x16xf32>
          tpu.vector_store %arg8[%swap3A_138, %swap3A_139], %swap3A_142 {strides = array<i32>} : memref<128x128xf32, #tpu.memory_space<vmem>>, vector<1x16xf32>,
          %get3A_143 = arith.index_cast %scan3A_59 : i32 to index
          %get3A_144 = arith.constant 96 : index
          %get3A_145 = tpu.vector_load %arg8[%get3A_143, %get3A_144] {strides = array<i32>} : memref<128x128xf32, #tpu.memory_space<vmem>>, vector<1x16xf32>,
          %get3A_146 = vector.shape_cast %get3A_145 : vector<1x16xf32> to vector<16xf32>
          %get3A_147 = arith.index_cast %scan3A_59 : i32 to index
          %get3A_148 = arith.constant 96 : index
          %get3A_149 = tpu.vector_load %arg9[%get3A_147, %get3A_148] {strides = array<i32>} : memref<128x128xf32, #tpu.memory_space<vmem>>, vector<1x16xf32>,
          %get3A_150 = vector.shape_cast %get3A_149 : vector<1x16xf32> to vector<16xf32>
          %mul3A_151 = arith.mulf %get3A_146, %get3A_150 : vector<16xf32>
          %swap3A_152 = arith.index_cast %scan3A_59 : i32 to index
          %swap3A_153 = arith.constant 96 : index
          %swap3A_154 = tpu.vector_load %arg8[%swap3A_152, %swap3A_153] {strides = array<i32>} : memref<128x128xf32, #tpu.memory_space<vmem>>, vector<1x16xf32>,
          %swap3A_155 = vector.shape_cast %swap3A_154 : vector<1x16xf32> to vector<16xf32>
          %swap3A_156 = vector.shape_cast %mul3A_151 : vector<16xf32> to vector<1x16xf32>
          tpu.vector_store %arg8[%swap3A_152, %swap3A_153], %swap3A_156 {strides = array<i32>} : memref<128x128xf32, #tpu.memory_space<vmem>>, vector<1x16xf32>,
          %get3A_157 = arith.index_cast %scan3A_59 : i32 to index
          %get3A_158 = arith.constant 112 : index
          %get3A_159 = tpu.vector_load %arg8[%get3A_157, %get3A_158] {strides = array<i32>} : memref<128x128xf32, #tpu.memory_space<vmem>>, vector<1x16xf32>,
          %get3A_160 = vector.shape_cast %get3A_159 : vector<1x16xf32> to vector<16xf32>
          %get3A_161 = arith.index_cast %scan3A_59 : i32 to index
          %get3A_162 = arith.constant 112 : index
          %get3A_163 = tpu.vector_load %arg9[%get3A_161, %get3A_162] {strides = array<i32>} : memref<128x128xf32, #tpu.memory_space<vmem>>, vector<1x16xf32>,
          %get3A_164 = vector.shape_cast %get3A_163 : vector<1x16xf32> to vector<16xf32>
          %mul3A_165 = arith.mulf %get3A_160, %get3A_164 : vector<16xf32>
          %swap3A_166 = arith.index_cast %scan3A_59 : i32 to index
          %swap3A_167 = arith.constant 112 : index
          %swap3A_168 = tpu.vector_load %arg8[%swap3A_166, %swap3A_167] {strides = array<i32>} : memref<128x128xf32, #tpu.memory_space<vmem>>, vector<1x16xf32>,
          %swap3A_169 = vector.shape_cast %swap3A_168 : vector<1x16xf32> to vector<16xf32>
          %swap3A_170 = vector.shape_cast %mul3A_165 : vector<16xf32> to vector<1x16xf32>
          tpu.vector_store %arg8[%swap3A_166, %swap3A_167], %swap3A_170 {strides = array<i32>} : memref<128x128xf32, #tpu.memory_space<vmem>>, vector<1x16xf32>,
          %scan3A_171 = arith.constant 0 : i32
          scf.yield %scan3A_171 : i32
        }
        %scan3A_58 = arith.constant 128 : i32
        "tpu.region"() ({
          %run_scoped3A = tpu.sem_alloc : memref<!tpu.dma_semaphore, #tpu.memory_space<semaphore_mem>>
          %dma_start3A_59 = arith.constant 0 : i32
          %dma_start3A_60 = arith.constant 0 : i32
          %dma_start3A_61 = tpu.memref_slice %arg7[%dma_start3A_59, %dma_start3A_60] : memref<10000x128xf32, #tpu.memory_space<vmem_shared>> -> memref<10000x128xf32, #tpu.memory_space<vmem_shared>>
          tpu.enqueue_indirect_dma source(%arg8 : memref<128x128xf32, #tpu.memory_space<vmem>>) target(%dma_start3A_61 : memref<10000x128xf32, #tpu.memory_space<vmem_shared>>) offsets(%arg11 : memref<128xi32, #tpu.memory_space<vmem>>) semaphore(%run_scoped3A : memref<!tpu.dma_semaphore, #tpu.memory_space<semaphore_mem>>) {add = true}
          %dma_wait3A_62 = arith.constant 0 : i32
          %dma_wait3A_63 = arith.constant 0 : i32
          %dma_wait3A_64 = tpu.memref_slice %arg7[%dma_wait3A_62, %dma_wait3A_63] : memref<10000x128xf32, #tpu.memory_space<vmem_shared>> -> memref<10000x128xf32, #tpu.memory_space<vmem_shared>>
          tpu.wait_indirect_dma semaphore(%run_scoped3A : memref<!tpu.dma_semaphore, #tpu.memory_space<semaphore_mem>>) src(%arg8 : memref<128x128xf32, #tpu.memory_space<vmem>>) dst(%dma_wait3A_64 : memref<10000x128xf32, #tpu.memory_space<vmem_shared>>)
          tpu.yield
        }) : () -> ()
      } else {
      }
      %scan3A_46 = arith.constant 0 : i32
      scf.yield %scan3A_46 : i32
    }
    %scan3A_33 = arith.constant 79 : i32
    %barrier3A_34 = arith.constant 0 : index
    tpu.barrier barrier_id(%barrier3A_34)
    "tpu.region"() ({
      %run_scoped3A = tpu.sem_alloc : memref<!tpu.dma_semaphore, #tpu.memory_space<semaphore_mem>>
      %dma_start3A = arith.constant 0 : i32
      %dma_start3A_40 = tpu.memref_slice %arg6[%arg0, %mul3A_8, %dma_start3A] : memref<2x10000x128xf32, #tpu.memory_space<hbm>> -> memref<1x624x128xf32, #tpu.memory_space<hbm>>
      %dma_start3A_41 = tpu.memref_squeeze %dma_start3A_40 : memref<1x624x128xf32, #tpu.memory_space<hbm>> -> memref<624x128xf32, #tpu.memory_space<hbm>>
      %dma_start3A_42 = arith.constant 0 : i32
      %dma_start3A_43 = tpu.memref_slice %arg7[%mul3A_8, %dma_start3A_42] : memref<10000x128xf32, #tpu.memory_space<vmem_shared>> -> memref<624x128xf32, #tpu.memory_space<vmem_shared>>
      tpu.enqueue_dma source(%dma_start3A_43 : memref<624x128xf32, #tpu.memory_space<vmem_shared>>) target(%dma_start3A_41 : memref<624x128xf32, #tpu.memory_space<hbm>>) target_semaphore(%run_scoped3A : memref<!tpu.dma_semaphore, #tpu.memory_space<semaphore_mem>>)
      %dma_wait3A = arith.constant 0 : i32
      %dma_wait3A_44 = tpu.memref_slice %arg6[%arg0, %mul3A_8, %dma_wait3A] : memref<2x10000x128xf32, #tpu.memory_space<hbm>> -> memref<1x624x128xf32, #tpu.memory_space<hbm>>
      %dma_wait3A_45 = tpu.memref_squeeze %dma_wait3A_44 : memref<1x624x128xf32, #tpu.memory_space<hbm>> -> memref<624x128xf32, #tpu.memory_space<hbm>>
      %dma_wait3A_46 = arith.constant 0 : i32
      %dma_wait3A_47 = tpu.memref_slice %arg7[%mul3A_8, %dma_wait3A_46] : memref<10000x128xf32, #tpu.memory_space<vmem_shared>> -> memref<624x128xf32, #tpu.memory_space<vmem_shared>>
      tpu.wait_dma2 semaphore(%run_scoped3A : memref<!tpu.dma_semaphore, #tpu.memory_space<semaphore_mem>>) src(%dma_wait3A_47 : memref<624x128xf32, #tpu.memory_space<vmem_shared>>) dst(%dma_wait3A_45 : memref<624x128xf32, #tpu.memory_space<hbm>>)
      tpu.yield
    }) : () -> ()
    %eq3A_35 = arith.constant 15 : i32
    %eq3A_36 = arith.cmpi eq, %arg1, %eq3A_35 : i32
    %convert_element_type3A_37 = arith.extui %eq3A_36 : i1 to i32
    %cond3A_38 = arith.constant 0 : i32
    %cond3A_39 = arith.cmpi ne, %convert_element_type3A_37, %cond3A_38 : i32
    scf.if %cond3A_39 {
      "tpu.region"() ({
        %run_scoped3A = tpu.sem_alloc : memref<!tpu.dma_semaphore, #tpu.memory_space<semaphore_mem>>
        %dma_start3A = arith.constant 9984 : i32
        %dma_start3A_40 = arith.constant 0 : i32
        %dma_start3A_41 = tpu.memref_slice %arg6[%arg0, %dma_start3A, %dma_start3A_40] : memref<2x10000x128xf32, #tpu.memory_space<hbm>> -> memref<1x16x128xf32, #tpu.memory_space<hbm>>
        %dma_start3A_42 = tpu.memref_squeeze %dma_start3A_41 : memref<1x16x128xf32, #tpu.memory_space<hbm>> -> memref<16x128xf32, #tpu.memory_space<hbm>>
        %dma_start3A_43 = arith.constant 9984 : i32
        %dma_start3A_44 = arith.constant 0 : i32
        %dma_start3A_45 = tpu.memref_slice %arg7[%dma_start3A_43, %dma_start3A_44] : memref<10000x128xf32, #tpu.memory_space<vmem_shared>> -> memref<16x128xf32, #tpu.memory_space<vmem_shared>>
        tpu.enqueue_dma source(%dma_start3A_45 : memref<16x128xf32, #tpu.memory_space<vmem_shared>>) target(%dma_start3A_42 : memref<16x128xf32, #tpu.memory_space<hbm>>) target_semaphore(%run_scoped3A : memref<!tpu.dma_semaphore, #tpu.memory_space<semaphore_mem>>)
        %dma_wait3A = arith.constant 9984 : i32
        %dma_wait3A_46 = arith.constant 0 : i32
        %dma_wait3A_47 = tpu.memref_slice %arg6[%arg0, %dma_wait3A, %dma_wait3A_46] : memref<2x10000x128xf32, #tpu.memory_space<hbm>> -> memref<1x16x128xf32, #tpu.memory_space<hbm>>
        %dma_wait3A_48 = tpu.memref_squeeze %dma_wait3A_47 : memref<1x16x128xf32, #tpu.memory_space<hbm>> -> memref<16x128xf32, #tpu.memory_space<hbm>>
        %dma_wait3A_49 = arith.constant 9984 : i32
        %dma_wait3A_50 = arith.constant 0 : i32
        %dma_wait3A_51 = tpu.memref_slice %arg7[%dma_wait3A_49, %dma_wait3A_50] : memref<10000x128xf32, #tpu.memory_space<vmem_shared>> -> memref<16x128xf32, #tpu.memory_space<vmem_shared>>
        tpu.wait_dma2 semaphore(%run_scoped3A : memref<!tpu.dma_semaphore, #tpu.memory_space<semaphore_mem>>) src(%dma_wait3A_51 : memref<16x128xf32, #tpu.memory_space<vmem_shared>>) dst(%dma_wait3A_48 : memref<16x128xf32, #tpu.memory_space<hbm>>)
        tpu.yield
      }) : () -> ()
    } else {
    }
    return
  }
}

module attributes {stable_mosaic.version = 14 : i64} {
  func.func @_cutoff_body(%arg0: memref<2500x128xf32, #tpu.memory_space<vmem>>, %arg1: memref<2500x128xf32, #tpu.memory_space<vmem>>) attributes {dimension_semantics = [], scalar_prefetch = 0 : i64, scratch_operands = 0 : i64, tpu.core_type = #tpu.core_type<tc>} {
    %get3A = arith.constant 0 : index
    %get3A_0 = arith.constant 0 : index
    %get3A_1 = vector.load %arg0[%get3A, %get3A_0] : memref<2500x128xf32, #tpu.memory_space<vmem>>, vector<2500x128xf32>
    %mul3A = arith.constant 0.314159274 : f32
    %mul3A_2 = vector.broadcast %mul3A : f32 to vector<2500x128xf32>
    %mul3A_3 = arith.mulf %get3A_1, %mul3A_2 : vector<2500x128xf32>
    %cos3A = math.cos %mul3A_3 : vector<2500x128xf32>
    %add3A = arith.constant 1.000000e+00 : f32
    %add3A_4 = vector.broadcast %add3A : f32 to vector<2500x128xf32>
    %add3A_5 = arith.addf %cos3A, %add3A_4 : vector<2500x128xf32>
    %mul3A_6 = arith.constant 5.000000e-01 : f32
    %mul3A_7 = vector.broadcast %mul3A_6 : f32 to vector<2500x128xf32>
    %mul3A_8 = arith.mulf %mul3A_7, %add3A_5 : vector<2500x128xf32>
    %swap3A = arith.constant 0 : index
    %swap3A_9 = arith.constant 0 : index
    %swap3A_10 = vector.load %arg1[%swap3A, %swap3A_9] : memref<2500x128xf32, #tpu.memory_space<vmem>>, vector<2500x128xf32>
    tpu.vector_store %arg1[%swap3A, %swap3A_9], %mul3A_8 {strides = array<i32>} : memref<2500x128xf32, #tpu.memory_space<vmem>>, vector<2500x128xf32>,
    return
  }
}

module attributes {stable_mosaic.version = 14 : i64} {
  func.func @_embed_body(%arg0: memref<10000x128xf32, #tpu.memory_space<vmem>>, %arg1: memref<128x128xf32, #tpu.memory_space<vmem>>, %arg2: memref<10000x128xf32, #tpu.memory_space<vmem>>) attributes {dimension_semantics = [], scalar_prefetch = 0 : i64, scratch_operands = 0 : i64, tpu.core_type = #tpu.core_type<tc>} {
    %get3A = arith.constant 0 : index
    %get3A_0 = arith.constant 0 : index
    %get3A_1 = vector.load %arg0[%get3A, %get3A_0] : memref<10000x128xf32, #tpu.memory_space<vmem>>, vector<10000x128xf32>
    %get3A_2 = arith.constant 0 : index
    %get3A_3 = arith.constant 0 : index
    %get3A_4 = vector.load %arg1[%get3A_2, %get3A_3] : memref<128x128xf32, #tpu.memory_space<vmem>>, vector<128x128xf32>
    %dot_general3A = arith.constant dense<0.000000e+00> : vector<10000x128xf32>
    %dot_general3A_5 = tpu.matmul %get3A_1, %get3A_4, %dot_general3A {dimension_numbers = #tpu.dot_dimension_numbers<[1], [0], [0], [1], [0, 0, 1, 1], [], []>, transpose_lhs_hint = false} : vector<10000x128xf32>, vector<128x128xf32>, vector<10000x128xf32> -> vector<10000x128xf32>
    %swap3A = arith.constant 0 : index
    %swap3A_6 = arith.constant 0 : index
    %swap3A_7 = vector.load %arg2[%swap3A, %swap3A_6] : memref<10000x128xf32, #tpu.memory_space<vmem>>, vector<10000x128xf32>
    tpu.vector_store %arg2[%swap3A, %swap3A_6], %dot_general3A_5 {strides = array<i32>} : memref<10000x128xf32, #tpu.memory_space<vmem>>, vector<10000x128xf32>,
    return
  }
}

module attributes {stable_mosaic.version = 14 : i64} {
  func.func @_edge_filter_body(%arg0: i32, %arg1: memref<4000x16xf32, #tpu.memory_space<vmem>>, %arg2: memref<4000x1xf32, #tpu.memory_space<vmem>>, %arg3: memref<16x128xf32, #tpu.memory_space<vmem>>, %arg4: memref<1x128xf32, #tpu.memory_space<vmem>>, %arg5: memref<128x128xf32, #tpu.memory_space<vmem>>, %arg6: memref<1x128xf32, #tpu.memory_space<vmem>>, %arg7: memref<4000x128xf32, #tpu.memory_space<vmem>>) attributes {dimension_semantics = [#tpu.dimension_semantics<arbitrary>], iteration_bounds = array<i64: 80>, scalar_prefetch = 0 : i64, scratch_operands = 0 : i64, tpu.core_type = #tpu.core_type<tc>, window_params = [{transform_indices = @transform_0, window_bounds = array<i64: 4000, 16>}, {transform_indices = @transform_1, window_bounds = array<i64: 4000, 1>}, {pipeline_mode = #tpu.pipeline_mode<synchronous>, transform_indices = @transform_2, window_bounds = array<i64: 16, 128>}, {pipeline_mode = #tpu.pipeline_mode<synchronous>, transform_indices = @transform_3, window_bounds = array<i64: 1, 128>}, {pipeline_mode = #tpu.pipeline_mode<synchronous>, transform_indices = @transform_4, window_bounds = array<i64: 128, 128>}, {pipeline_mode = #tpu.pipeline_mode<synchronous>, transform_indices = @transform_5, window_bounds = array<i64: 1, 128>}, {transform_indices = @transform_6, window_bounds = array<i64: 4000, 128>}]} {
    %get3A = arith.constant 0 : index
    %get3A_0 = arith.constant 0 : index
    %get3A_1 = vector.load %arg1[%get3A, %get3A_0] : memref<4000x16xf32, #tpu.memory_space<vmem>>, vector<4000x16xf32>
    %get3A_2 = arith.constant 0 : index
    %get3A_3 = arith.constant 0 : index
    %get3A_4 = vector.load %arg3[%get3A_2, %get3A_3] : memref<16x128xf32, #tpu.memory_space<vmem>>, vector<16x128xf32>
    %dot_general3A = arith.constant dense<0.000000e+00> : vector<4000x128xf32>
    %dot_general3A_5 = tpu.matmul %get3A_1, %get3A_4, %dot_general3A {dimension_numbers = #tpu.dot_dimension_numbers<[1], [0], [0], [1], [0, 0, 1, 1], [], []>, transpose_lhs_hint = false} : vector<4000x16xf32>, vector<16x128xf32>, vector<4000x128xf32> -> vector<4000x128xf32>
    %get3A_6 = arith.constant 0 : index
    %get3A_7 = arith.constant 0 : index
    %get3A_8 = vector.load %arg4[%get3A_6, %get3A_7] : memref<1x128xf32, #tpu.memory_space<vmem>>, vector<1x128xf32>
    %add3A = vector.broadcast %get3A_8 : vector<1x128xf32> to vector<4000x128xf32>
    %add3A_9 = arith.addf %dot_general3A_5, %add3A : vector<4000x128xf32>
    %custom_jvp_call3A = arith.constant 0.000000e+00 : f32
    %max3A = vector.broadcast %custom_jvp_call3A : f32 to vector<4000x128xf32>
    %max3A_10 = arith.maximumf %add3A_9, %max3A : vector<4000x128xf32>
    %sub3A = vector.broadcast %custom_jvp_call3A : f32 to vector<4000x128xf32>
    %sub3A_11 = arith.subf %add3A_9, %sub3A : vector<4000x128xf32>
    %ne3A = arith.cmpf one, %sub3A_11, %sub3A_11 : vector<4000x128xf32>
    %add3A_12 = vector.broadcast %custom_jvp_call3A : f32 to vector<4000x128xf32>
    %add3A_13 = arith.addf %add3A_9, %add3A_12 : vector<4000x128xf32>
    %abs3A = math.absf %sub3A_11 : vector<4000x128xf32>
    %neg3A = arith.constant 0.000000e+00 : f32
    %neg3A_14 = vector.broadcast %neg3A : f32 to vector<4000x128xf32>
    %neg3A_15 = arith.subf %neg3A_14, %abs3A : vector<4000x128xf32>
    %exp3A = math.exp %neg3A_15 : vector<4000x128xf32>
    %log1p3A = math.log1p %exp3A : vector<4000x128xf32>
    %add3A_16 = arith.addf %max3A_10, %log1p3A : vector<4000x128xf32>
    %select_n3A = arith.select %ne3A, %add3A_13, %add3A_16 : vector<4000x128xi1>, vector<4000x128xf32>
    %log3A = arith.constant 2.000000e+00 : f32
    %log3A_17 = math.log %log3A : f32
    %sub3A_18 = vector.broadcast %log3A_17 : f32 to vector<4000x128xf32>
    %sub3A_19 = arith.subf %select_n3A, %sub3A_18 : vector<4000x128xf32>
    %get3A_20 = arith.constant 0 : index
    %get3A_21 = arith.constant 0 : index
    %get3A_22 = vector.load %arg5[%get3A_20, %get3A_21] : memref<128x128xf32, #tpu.memory_space<vmem>>, vector<128x128xf32>
    %dot_general3A_23 = arith.constant dense<0.000000e+00> : vector<4000x128xf32>
    %dot_general3A_24 = tpu.matmul %sub3A_19, %get3A_22, %dot_general3A_23 {dimension_numbers = #tpu.dot_dimension_numbers<[1], [0], [0], [1], [0, 0, 1, 1], [], []>, transpose_lhs_hint = false} : vector<4000x128xf32>, vector<128x128xf32>, vector<4000x128xf32> -> vector<4000x128xf32>
    %get3A_25 = arith.constant 0 : index
    %get3A_26 = arith.constant 0 : index
    %get3A_27 = vector.load %arg6[%get3A_25, %get3A_26] : memref<1x128xf32, #tpu.memory_space<vmem>>, vector<1x128xf32>
    %add3A_28 = vector.broadcast %get3A_27 : vector<1x128xf32> to vector<4000x128xf32>
    %add3A_29 = arith.addf %dot_general3A_24, %add3A_28 : vector<4000x128xf32>
    %get3A_30 = arith.constant 0 : index
    %get3A_31 = arith.constant 0 : index
    %get3A_32 = vector.load %arg2[%get3A_30, %get3A_31] : memref<4000x1xf32, #tpu.memory_space<vmem>>, vector<4000x1xf32>
    %mul3A = vector.broadcast %get3A_32 : vector<4000x1xf32> to vector<4000x128xf32>
    %mul3A_33 = arith.mulf %add3A_29, %mul3A : vector<4000x128xf32>
    %swap3A = arith.constant 0 : index
    %swap3A_34 = arith.constant 0 : index
    %swap3A_35 = vector.load %arg7[%swap3A, %swap3A_34] : memref<4000x128xf32, #tpu.memory_space<vmem>>, vector<4000x128xf32>
    tpu.vector_store %arg7[%swap3A, %swap3A_34], %mul3A_33 {strides = array<i32>} : memref<4000x128xf32, #tpu.memory_space<vmem>>, vector<4000x128xf32>,
    return
  }
  func.func @transform_0(%arg0: i32) -> (i32, i32) {
    %c0_i32 = arith.constant 0 : i32
    %c0_i32_0 = arith.constant 0 : i32
    return %arg0, %c0_i32 : i32, i32
  }
  func.func @transform_1(%arg0: i32) -> (i32, i32) {
    %c0_i32 = arith.constant 0 : i32
    %c0_i32_0 = arith.constant 0 : i32
    return %arg0, %c0_i32 : i32, i32
  }
  func.func @transform_2(%arg0: i32) -> (i32, i32) {
    %c0_i32 = arith.constant 0 : i32
    %c0_i32_0 = arith.constant 0 : i32
    %c0_i32_1 = arith.constant 0 : i32
    return %c0_i32, %c0_i32_0 : i32, i32
  }
  func.func @transform_3(%arg0: i32) -> (i32, i32) {
    %c0_i32 = arith.constant 0 : i32
    %c0_i32_0 = arith.constant 0 : i32
    %c0_i32_1 = arith.constant 0 : i32
    return %c0_i32, %c0_i32_0 : i32, i32
  }
  func.func @transform_4(%arg0: i32) -> (i32, i32) {
    %c0_i32 = arith.constant 0 : i32
    %c0_i32_0 = arith.constant 0 : i32
    %c0_i32_1 = arith.constant 0 : i32
    return %c0_i32, %c0_i32_0 : i32, i32
  }
  func.func @transform_5(%arg0: i32) -> (i32, i32) {
    %c0_i32 = arith.constant 0 : i32
    %c0_i32_0 = arith.constant 0 : i32
    %c0_i32_1 = arith.constant 0 : i32
    return %c0_i32, %c0_i32_0 : i32, i32
  }
  func.func @transform_6(%arg0: i32) -> (i32, i32) {
    %c0_i32 = arith.constant 0 : i32
    %c0_i32_0 = arith.constant 0 : i32
    return %arg0, %c0_i32 : i32, i32
  }
}

module attributes {stable_mosaic.version = 14 : i64} {
  func.func @_out_body(%arg0: memref<2x10000x128xf32, #tpu.memory_space<vmem>>, %arg1: memref<128x128xf32, #tpu.memory_space<vmem>>, %arg2: memref<1x128xf32, #tpu.memory_space<vmem>>, %arg3: memref<128x128xf32, #tpu.memory_space<vmem>>, %arg4: memref<1x128xf32, #tpu.memory_space<vmem>>, %arg5: memref<10000x128xf32, #tpu.memory_space<vmem>>) attributes {dimension_semantics = [], scalar_prefetch = 0 : i64, scratch_operands = 0 : i64, tpu.core_type = #tpu.core_type<tc>} {
    %get3A = arith.constant 0 : index
    %get3A_0 = arith.constant 0 : index
    %get3A_1 = arith.constant 0 : index
    %get3A_2 = vector.load %arg0[%get3A, %get3A_0, %get3A_1] : memref<2x10000x128xf32, #tpu.memory_space<vmem>>, vector<1x10000x128xf32>
    %get3A_3 = vector.shape_cast %get3A_2 : vector<1x10000x128xf32> to vector<10000x128xf32>
    %get3A_4 = arith.constant 1 : index
    %get3A_5 = arith.constant 0 : index
    %get3A_6 = arith.constant 0 : index
    %get3A_7 = vector.load %arg0[%get3A_4, %get3A_5, %get3A_6] : memref<2x10000x128xf32, #tpu.memory_space<vmem>>, vector<1x10000x128xf32>
    %get3A_8 = vector.shape_cast %get3A_7 : vector<1x10000x128xf32> to vector<10000x128xf32>
    %add3A = arith.addf %get3A_3, %get3A_8 : vector<10000x128xf32>
    %get3A_9 = arith.constant 0 : index
    %get3A_10 = arith.constant 0 : index
    %get3A_11 = vector.load %arg1[%get3A_9, %get3A_10] : memref<128x128xf32, #tpu.memory_space<vmem>>, vector<128x128xf32>
    %dot_general3A = arith.constant dense<0.000000e+00> : vector<10000x128xf32>
    %dot_general3A_12 = tpu.matmul %add3A, %get3A_11, %dot_general3A {dimension_numbers = #tpu.dot_dimension_numbers<[1], [0], [0], [1], [0, 0, 1, 1], [], []>, transpose_lhs_hint = false} : vector<10000x128xf32>, vector<128x128xf32>, vector<10000x128xf32> -> vector<10000x128xf32>
    %get3A_13 = arith.constant 0 : index
    %get3A_14 = arith.constant 0 : index
    %get3A_15 = vector.load %arg2[%get3A_13, %get3A_14] : memref<1x128xf32, #tpu.memory_space<vmem>>, vector<1x128xf32>
    %add3A_16 = vector.broadcast %get3A_15 : vector<1x128xf32> to vector<10000x128xf32>
    %add3A_17 = arith.addf %dot_general3A_12, %add3A_16 : vector<10000x128xf32>
    %custom_jvp_call3A = arith.constant 0.000000e+00 : f32
    %max3A = vector.broadcast %custom_jvp_call3A : f32 to vector<10000x128xf32>
    %max3A_18 = arith.maximumf %add3A_17, %max3A : vector<10000x128xf32>
    %sub3A = vector.broadcast %custom_jvp_call3A : f32 to vector<10000x128xf32>
    %sub3A_19 = arith.subf %add3A_17, %sub3A : vector<10000x128xf32>
    %ne3A = arith.cmpf one, %sub3A_19, %sub3A_19 : vector<10000x128xf32>
    %add3A_20 = vector.broadcast %custom_jvp_call3A : f32 to vector<10000x128xf32>
    %add3A_21 = arith.addf %add3A_17, %add3A_20 : vector<10000x128xf32>
    %abs3A = math.absf %sub3A_19 : vector<10000x128xf32>
    %neg3A = arith.constant 0.000000e+00 : f32
    %neg3A_22 = vector.broadcast %neg3A : f32 to vector<10000x128xf32>
    %neg3A_23 = arith.subf %neg3A_22, %abs3A : vector<10000x128xf32>
    %exp3A = math.exp %neg3A_23 : vector<10000x128xf32>
    %log1p3A = math.log1p %exp3A : vector<10000x128xf32>
    %add3A_24 = arith.addf %max3A_18, %log1p3A : vector<10000x128xf32>
    %select_n3A = arith.select %ne3A, %add3A_21, %add3A_24 : vector<10000x128xi1>, vector<10000x128xf32>
    %log3A = arith.constant 2.000000e+00 : f32
    %log3A_25 = math.log %log3A : f32
    %sub3A_26 = vector.broadcast %log3A_25 : f32 to vector<10000x128xf32>
    %sub3A_27 = arith.subf %select_n3A, %sub3A_26 : vector<10000x128xf32>
    %get3A_28 = arith.constant 0 : index
    %get3A_29 = arith.constant 0 : index
    %get3A_30 = vector.load %arg3[%get3A_28, %get3A_29] : memref<128x128xf32, #tpu.memory_space<vmem>>, vector<128x128xf32>
    %dot_general3A_31 = arith.constant dense<0.000000e+00> : vector<10000x128xf32>
    %dot_general3A_32 = tpu.matmul %sub3A_27, %get3A_30, %dot_general3A_31 {dimension_numbers = #tpu.dot_dimension_numbers<[1], [0], [0], [1], [0, 0, 1, 1], [], []>, transpose_lhs_hint = false} : vector<10000x128xf32>, vector<128x128xf32>, vector<10000x128xf32> -> vector<10000x128xf32>
    %get3A_33 = arith.constant 0 : index
    %get3A_34 = arith.constant 0 : index
    %get3A_35 = vector.load %arg4[%get3A_33, %get3A_34] : memref<1x128xf32, #tpu.memory_space<vmem>>, vector<1x128xf32>
    %add3A_36 = vector.broadcast %get3A_35 : vector<1x128xf32> to vector<10000x128xf32>
    %add3A_37 = arith.addf %dot_general3A_32, %add3A_36 : vector<10000x128xf32>
    %swap3A = arith.constant 0 : index
    %swap3A_38 = arith.constant 0 : index
    %swap3A_39 = vector.load %arg5[%swap3A, %swap3A_38] : memref<10000x128xf32, #tpu.memory_space<vmem>>, vector<10000x128xf32>
    tpu.vector_store %arg5[%swap3A, %swap3A_38], %add3A_37 {strides = array<i32>} : memref<10000x128xf32, #tpu.memory_space<vmem>>, vector<10000x128xf32>,
    return
  }
}

</mosaic_0001>

<sc_bundles>
// kernel: kernel.7.cloned.1.call-start
scs
__scs_entry_jumppad:
0x0: {  	(pc) =	sbr.rel $0x88, $3  }
0x1: {  	(tag) =	ssettag $0x0;
	lr =	simm.s32 $0x1  }
0x2: {  	[smem:$0x3F94] =	sst lr;
	_ =	strace $0xD0000000  }
0x3: {  	_ = 	snop  }
0x4: {  	_ = 	snop  }
0x5: {  	_ = 	snop  }
0x6: {  	_ = 	snop  }
0x7: {  	_ = 	snop  }
__scs_overlays_trampoline_lowered:
0x8: {  	[smem:$0x3FA3] =	sst s0  }
0x9: {  	[smem:$0x3FA4] =	sst s1  }
0xa: {  	[smem:$0x3FA5] =	sst s2  }
0xb: {  	[smem:$0x3FA6] =	sst s3  }
0xc: {  	[smem:$0x3FA7] =	sst s4  }
0xd: {  	[smem:$0x3FA8] =	sst s5  }
0xe: {  	[smem:$0x3FA9] =	sst s6  }
0xf: {  	[smem:$0x3FAA] =	sst s7  }
0x10: {  	[smem:$0x3FAB] =	sst s8  }
0x11: {  	[smem:$0x3FAC] =	sst s9;
	s0 =	simm.s32 @!p0 $0x0  }
0x12: {  	s1 =	sld [smem:$0x3F92];
	s0 =	simm.s32 @p0 $0x1  }
0x13: {  	[smem:$0x3FAD] =	sst s0;
	s0 =	simm.s32 @!p1 $0x0  }
0x14: {  	s2 =	sld [smem:$0x3F91];
	s0 =	simm.s32 @p1 $0x1  }
0x15: {  	[smem:$0x3FAE] =	sst s0;
	s0 =	simm.s32 @!p2 $0x0  }
0x16: {  	s3 =	sld [smem:$0x3FDB];
	s0 =	simm.s32 @p2 $0x1  }
0x17: {  	s4 =	simm.s32 $0x1BF5;
	[smem:$0x3FB0] =	sst s0  }
0x18: {  	s0 =	sld [smem:$0x3F93];
	_ =	swait.ge [sflag:s4], $0x0  }
0x19: {  	s7 =	sld [smem:$0x3F94]  }
0x1a: {  	s8 =	sadd.s32 $0xFFFFE003, lr  }
0x1b: {  	s9 =	sadd.s32 $0xFFFFFEF7, lr;
	s5 =	simm.s32 $0xFFFFFFFF;
	p2 =	slt.u32 s8, $0xFFFFF086  }
0x1c: {  	p1 =	slt.u32 s9, $0xF7A;
	s5 =	simm.s32 @!p2 $0x0  }
0x1d: {  	s5 =	simm.s32 @p1 $0x1;
	p0 =	seq.s32 s7, s2  }
0x1e: {  	s7 =	smul.u32 @!p0 $0xF7A, s2;
	p2 =	seq.s32 @!p0 s5, $0x0  }
0x1f: {  	s9 =	smul.u32 $0xF7A, s1;
	s8 =	simm.s32 @!p0 $0x1BF5;
	p2 =	por !p2, p0  }
0x20: {  	[sflag:s8] =	ssyncset.s32 @!p0 $0xFFFFF086;
	s6 =	sadd.s32 @!p0 s3, s7;
	s7 =	simm.s32 @!p0 $0x108  }
0x21: {  	s3 =	sadd.s32 s3, s9;
	s6 =	sadd.s32 @!p0 $0x88, s6;
	s7 =	simm.s32 @p2 $0x1082  }
0x22: {  	[simem:s7], [sflag:s8] =	dma.local @!p0 [hbm:s6], $0xF7A  }
0x23: {  	s9 =	sor.u32 $0xD0000000, s2;
	s6 =	simm.s32 $0x108;
	_ =	swait.ge @!p0 [sflag:s8], $0x0  }
0x24: {  	s3 =	sadd.s32 $0x88, s3;
	s6 =	simm.s32 @!p1 $0x1082;
	[sflag:s4] =	ssyncset.s32 $0xFFFFF086  }
0x25: {  	[simem:s6], [sflag:s4] =	dma.local [hbm:s3], $0xF7A  }
0x26: {  	[smem:$0x3F94] =	sst s1;
	(tag) =	ssettag s2;
	_ =	strace s9  }
0x27: {  	s1 =	sld [smem:$0x3FA4]  }
0x28: {  	s2 =	sld [smem:$0x3FA5]  }
0x29: {  	s4 =	sld [smem:$0x3FA7]  }
0x2a: {  	p0 =	seq.s32 s5, $0x0;
	s5 =	sld [smem:$0x3FA8]  }
0x2b: {  	s6 =	sld [smem:$0x3FA9]  }
0x2c: {  	s7 =	sld [smem:$0x3FAA]  }
0x2d: {  	s3 =	simm.s32 $0x108;
	s8 =	sld [smem:$0x3FAB]  }
0x2e: {  	s3 =	simm.s32 @!p0 $0x1082;
	s9 =	sld [smem:$0x3FAC]  }
0x2f: {  	lr =	sadd.s32 s0, s3;
	s0 =	sld [smem:$0x3FA3]  }
0x30: {  	s3 =	sld [smem:$0x3FA6]  }
0x31: {  	[smem:$0x3FAF] =	sst s10  }
0x32: {  	s10 =	sld [smem:$0x3FAD];
	_ =	sdelay $0x3  }
0x33: {  	p0 =	seq.s32 s10, $0x1;
	s10 =	sld [smem:$0x3FAF];
	_ =	sdelay $0x3  }
0x34: {  	[smem:$0x3FAF] =	sst s10  }
0x35: {  	s10 =	sld [smem:$0x3FAE];
	_ =	sdelay $0x3  }
0x36: {  	p1 =	seq.s32 s10, $0x1;
	s10 =	sld [smem:$0x3FAF];
	_ =	sdelay $0x3  }
0x37: {  	[smem:$0x3FAF] =	sst s10  }
0x38: {  	s10 =	sld [smem:$0x3FB0]  }
0x39: {  	_ = 	snop;
	(pc) =	sbr.ind lr, $3  }
0x3a: {  	_ = 	snop  }
0x3b: {  	_ = 	snop  }
0x3c: {  	p2 =	seq.s32 s10, $0x1;
	s10 =	sld [smem:$0x3FAF]  }
0x3d: {  	_ =	shalt  }
0x3e: {  	_ =	shalt  }
0x3f: {  	_ =	shalt  }
0x40: {  	_ =	shalt  }
0x41: {  	_ =	shalt  }
0x42: {  	_ =	shalt  }
0x43: {  	_ =	shalt  }
0x44: {  	_ =	shalt  }
0x45: {  	_ =	shalt  }
0x46: {  	_ =	shalt  }
0x47: {  	_ =	shalt  }
0x48: {  	_ =	shalt  }
0x49: {  	_ =	shalt  }
0x4a: {  	_ =	shalt  }
0x4b: {  	_ =	shalt  }
0x4c: {  	_ =	shalt  }
0x4d: {  	_ =	shalt  }
0x4e: {  	_ =	shalt  }
0x4f: {  	_ =	shalt  }
0x50: {  	_ =	shalt  }
0x51: {  	_ =	shalt  }
0x52: {  	_ =	shalt  }
0x53: {  	_ =	shalt  }
0x54: {  	_ =	shalt  }
0x55: {  	_ =	shalt  }
0x56: {  	_ =	shalt  }
0x57: {  	_ =	shalt  }
0x58: {  	_ =	shalt  }
0x59: {  	_ =	shalt  }
0x5a: {  	_ =	shalt  }
0x5b: {  	_ =	shalt  }
0x5c: {  	_ =	shalt  }
0x5d: {  	_ =	shalt  }
0x5e: {  	_ =	shalt  }
0x5f: {  	_ =	shalt  }
0x60: {  	_ =	shalt  }
0x61: {  	_ =	shalt  }
0x62: {  	_ =	shalt  }
0x63: {  	_ =	shalt  }
0x64: {  	_ =	shalt  }
0x65: {  	_ =	shalt  }
0x66: {  	_ =	shalt  }
0x67: {  	_ =	shalt  }
0x68: {  	_ =	shalt  }
0x69: {  	_ =	shalt  }
0x6a: {  	_ =	shalt  }
0x6b: {  	_ =	shalt  }
0x6c: {  	_ =	shalt  }
0x6d: {  	_ =	shalt  }
0x6e: {  	_ =	shalt  }
0x6f: {  	_ =	shalt  }
0x70: {  	_ =	shalt  }
0x71: {  	_ =	shalt  }
0x72: {  	_ =	shalt  }
0x73: {  	_ =	shalt  }
0x74: {  	_ =	shalt  }
0x75: {  	_ =	shalt  }
0x76: {  	_ =	shalt  }
0x77: {  	_ =	shalt  }
0x78: {  	_ =	shalt  }
0x79: {  	_ =	shalt  }
0x7a: {  	_ =	shalt  }
0x7b: {  	_ =	shalt  }
0x7c: {  	_ =	shalt  }
0x7d: {  	_ =	shalt  }
0x7e: {  	_ =	shalt  }
0x7f: {  	_ =	shalt  }
0x80: {  	_ =	shalt  }
0x81: {  	_ =	shalt  }
0x82: {  	_ =	shalt  }
0x83: {  	_ =	shalt  }
0x84: {  	_ =	shalt  }
0x85: {  	_ =	shalt  }
0x86: {  	_ =	shalt  }
0x87: {  	_ =	shalt  }
.Lfunc_end0:
.L_simem_size_0:
called_computation_lowered:
.L_overlay_start_0:
0x88: {  	s2 =	sld [smem:$0x3FD9]  }
0x89: {  	s3 =	sld [smem:$0x3FFE];
	_ =	sdelay $0x1  }
0x8a: {  	s1 =	srdreg.scid  }
0x8b: {  	s0 =	sand.u32 $0x1, s1  }
0x8c: {  	s17 =	sshll.u32 s0, $0xA;
	s2 =	sadd.s32 s3, s2  }
0x8d: {  	s2 =	sadd.s32 s2, s17  }
0x8e: {  	[smem:$0x3FBB] =	sst s2  }
0x8f: {  	_ = 	snop  }
0x90: {  	s2 =	sld [smem:$0x3FD0];
	(tm) =	ssettm $0x1  }
0x91: {  	s18 =	sld [smem:$0x3FFB];
	_ =	sdelay $0x3  }
0x92: {  	_ =	strace s18  }
0x93: {  	s3 =	sld [smem:$0x3FFC];
	_ =	sdelay $0x3  }
0x94: {  	_ =	strace s3  }
0x95: {  	s3 =	sld [smem:$0x3FFD];
	_ =	sdelay $0x3  }
0x96: {  	_ =	strace s3  }
0x97: {  	_ =	strace $0x8FFFFFFF  }
0x98: {  	s19 =	sld [smem:$0x3FDB];
	_ =	sdelay $0x1  }
0x99: {  	s4 =	simm.s32 $_scs_section_size  }
0x9a: {  	s5 =	simm.s32 $_size__tile_overlayer_lowered;
	s6 =	simm.s32 $_tile_overlayer_lowered  }
0x9b: {  	s22 =	simm.s32 $0x1BFF;
	s21 =	sshll.u32 s6, $0x1;
	s3 =	sadd.s32 s4, s19  }
0x9c: {  	s7 =	simm.s32 $0x0;
	s20 =	sshll.u32 s5, $0x1;
	s5 =	sadd.s32 s21, s3  }
0x9d: {  	[timem:s7], [sflag:s22] =	dma.local [hbm:s5], s20  }
0x9e: {  	_ =	swait.ge [sflag:s22], s20  }
0x9f: {  	s4 =	ssub.s32 $0x0, s20;
	[sflag:s22] =	ssyncset.done $0x0  }
0xa0: {  	[sflag:s22] =	ssyncadd.s32 s4;
	_ =	sdelay $0x1  }
0xa1: {  	s23 =	simm.s32 $0x1B8B  }
0xa2: {  	_ =	swait.ge [sflag:s23], $0x1  }
0xa3: {  	[sflag:s23] =	ssyncset.done $0x0  }
0xa4: {  	s25 =	simm.s32 $0x1B8E;
	s24 =	sld [smem:$0x3FFE];
	[sflag:s23] =	ssyncadd.s32 $0xFFFFFFFF  }
0xa5: {  	s26 =	simm.s32 $execute0_lowered;
	[smem:$0x3FD2] =	sst s25  }
0xa6: {  	s5 =	sshll.u32 s26, $0x1;
	_ =	strace $0x80000046;
	[dreg:$0x1] =	wrdreg $0xFFFFFFFF  }
0xa7: {  	s28 =	simm.s32 $_size_execute0_lowered;
	s3 =	sadd.s32 s3, s5;
	[dreg:$0x0] =	wrdreg $0x0  }
0xa8: {  	s5 =	sshll.u32 s28, $0x1;
	[dreg:$0x2] =	wrdreg s3  }
0xa9: {  	[dreg:$0x3] =	wrdreg s5  }
0xaa: {  	[dreg:$0x4] =	wrdreg $0xC0  }
0xab: {  	_ =	task [dreg:s7], $0x5FFFF  }
0xac: {  	[dreg:$0x1] =	wrdreg $0xFFFFFFFF  }
0xad: {  	[dreg:$0x0] =	wrdreg $0x60  }
0xae: {  	[dreg:$0x2] =	wrdreg s2  }
0xaf: {  	[dreg:$0x3] =	wrdreg s24  }
0xb0: {  	[dreg:$0x4] =	wrdreg $0x0  }
0xb1: {  	[dreg:$0x5] =	wrdreg $0x9  }
0xb2: {  	_ =	task.clear_ibuf [dreg:s7], $0x6FFFF;
	_ =	strace $0x90000046  }
0xb3: {  	s29 =	simm.s32 $0x9;
	_ =	strace $0x80000048  }
0xb4: {  	_ =	swait.ge [sflag:s29], $0x1  }
0xb5: {  	[sflag:s29] =	ssyncadd.s32 $0xFFFFFFFF  }
0xb6: {  	_ =	strace $0x90000048  }
0xb7: {  	_ =	sfence  }
0xb8: {  	s30 =	sld [smem:$0x0];
	_ =	sdelay $0x2  }
0xb9: {  	s31 =	sshll.u32 s1, $0xD;
	s1 =	sshrl.u32 s1, $0x2  }
0xba: {  	s3 =	sand.u32 $0x4000, s31;
	s1 =	sadd.s32 s1, s30  }
0xbb: {  	s0 =	sor.u32 s3, s0;
	s1 =	sshll.u32 s1, $0x11  }
0xbc: {  	s0 =	sor.u32 s1, s0  }
0xbd: {  	s0 =	sadd.s32 $0x8F2B, s0  }
0xbe: {  	[sflag:s0] =	ssyncadd.remote.s32 $0x1  }
0xbf: {  	_ =	sfence.sel $0xFFFF  }
0xc0: {  	[dreg:$0x0] =	wrdreg $0xFFFFFFFF;
	(pc) =	sbr.abs _section_cstart, $3  }
0xc1: {  	[dreg:$0x1] =	wrdreg $0xFFFFFFFF  }
0xc2: {  	_ =	task.clear_ibuf [dreg:s7], $0x2FFFF;
	_ =	strace $0x9FFFFFFF  }
0xc3: {  	(tm) =	ssettm $0x7FFFFFFF  }
tec
execute0_lowered:
.L_overlay_start_1:
0x0: {  	(tag) =	ssettag $0x1  }
0x1: {  	s1 =	rddreg [dreg:$0x0]  }
0x2: {  	s8 =	rddreg [dreg:$0x1]  }
0x3: {  	s2 =	rddreg [dreg:$0x2]  }
0x4: {  	s4 =	simm.s32 $0x0;
	s3 =	stileid.u32;
	s9 =	srdreg.scid  }
0x5: {  	s21 =	simm.s32 $0x1B880;
	s22 =	simm.s32 $0x3;
	s23 =	simm.s32 $0x1B900  }
0x6: {  	s24 =	simm.s32 $0x80;
	s25 =	simm.s32 $0x1;
	s26 =	simm.s32 $0x17880  }
0x7: {  	[smem:$0x7FF] =	sst s4;
	s5 =	sadd.s32 $0x9DAC00, s8;
	s6 =	sadd.s32 $0xCE00, s8  }
0x8: {  	s10 =	smul.u32 $0x4E000, s3;
	s7 =	sadd.s32 $0x3000, s8;
	s16 =	sadd.s32 $0x16C00, s8  }
0x9: {  	s12 =	sand.u32 $0x1, s9;
	s20 =	smul.u32 $0x13800, s3;
	s13 =	sadd.s32 $0x138000, s2  }
0xa: {  	_ =	strace $0x80000047;
	s9 =	ssub.s32 $0x2, s12;
	s30 =	sshll.u32 s12, $0x4  }
0xb: {  	s17 =	smul.u32 $0x138800, s12;
	s10 =	sshrl.u32 s10, $0x2;
	s11 =	sshrl.u32 s9, $0x1  }
0xc: {  	s15 =	sor.u32 s3, s30;
	s8 =	sadd.s32 s10, s2;
	s18 =	ssub.s32 s9, s11  }
0xd: {  	s14 =	smul.u32 $0x4E, s15;
	s19 =	smin.u32 s15, $0x4;
	p0 =	slt.u32 s15, $0x4  }
0xe: {  	s15 =	simm.s32 $0x4F;
	s31 =	sadd.s32 s20, s17;
	s17 =	sshrl.u32 s17, $0x3  }
.Ltmp0:
0xf: {  	s20 =	simm.s32 $0x2;
	s9 =	sadd.s32 $0x4000, s8;
	(pc) =	sbr.rel .LBB2_1-.Ltmp0, $4  }
0x10: {  	s10 =	sadd.s32 $0x8000, s8;
	s11 =	sadd.s32 $0xC000, s8;
	s12 =	sadd.s32 $0x10000, s8  }
0x11: {  	s15 =	simm.s32 @!p0 $0x4E;
	s17 =	sadd.s32 s16, s17;
	s18 =	smax.u32 s18, $0x1  }
0x12: {  	p0 =	sne.s32 s3, $0xF;
	s14 =	sadd.s32 s19, s14;
	s19 =	sshrl.u32 s31, $0x3  }
0x13: {  	v0 =	vimm.f32 $0.0e+00;
	s17 =	sadd.s32 $0x27000, s17;
	s16 =	sadd.s32 s16, s19;
	s19 =	simm.s32 $0x13880  }
.LBB2_9:
0x14: {  	s0 =	sshll.u32 s3, $0x6  }
0x15: {  	[bflag:$0x0] =	sbarrier.arrive $0xFFFF;
	s28 =	sshrl.u32 s8, $0x3;
	s0 =	sor.u32 $0x1C02, s0  }
0x16: {  	[hbm:s16], [sflag:s0] =	dma.local [spmem:s28], $0x2700  }
0x17: {  	_ =	swait.ge [sflag:s20], $0x2700  }
0x18: {  	s4 =	sadd.s32 $0x1, s4;
	[sflag:s20] =	ssyncset.done $0x0  }
0x19: {  	p1 =	sne.s32 s4, s18;
	s28 =	sshrl.u32 @!p0 s13, $0x3;
	[sflag:s20] =	ssyncadd.s32 $0xFFFFD900  }
0x1a: {  	[hbm:s17], [sflag:s0] =	dma.local @!p0 [spmem:s28], $0x100  }
.Ltmp1:
0x1b: {  	_ = 	snop;
	(pc) =	sbr.rel @!p1 .LBB2_10-.Ltmp1, $4  }
0x1c: {  	s0 =	simm.s32 @!p0 $0x2  }
0x1d: {  	_ =	swait.ge @!p0 [sflag:s0], $0x100  }
0x1e: {  	[sflag:s0] =	ssyncset.done @!p0 $0x0  }
0x1f: {  	[sflag:s0] =	ssyncadd.s32 @!p0 $0xFFFFFF00  }
.LBB2_1:
0x20: {  	s28 =	simm.s32 $0x0;
	s29 =	simm.s32 $0x200  }
.LBB2_2:
0x21: {  	p1 =	sne.s32 s29, $0xFE00;
	[tilespmem:s28+$0x138F0] =	vst v0  }
0x22: {  	[tilespmem:s28+$0x13880] =	vst v0  }
0x23: {  	[tilespmem:s28+$0x13890] =	vst v0  }
.Ltmp2:
0x24: {  	[tilespmem:s28+$0x138A0] =	vst v0;
	(pc) =	sbr.rel @p1 .LBB2_2-.Ltmp2, $4  }
0x25: {  	[tilespmem:s28+$0x138B0] =	vst v0  }
0x26: {  	[tilespmem:s28+$0x138C0] =	vst v0  }
0x27: {  	[tilespmem:s28+$0x138D0] =	vst v0  }
0x28: {  	[tilespmem:s28+$0x138E0] =	vst v0;
	s28 =	sshra.s32 s29, $0x2;
	s29 =	sadd.s32 $0x200, s29  }
0x29: {  	[tilespmem:s28+$0x138F0] =	vst v0  }
0x2a: {  	[tilespmem:s28+$0x13880] =	vst v0  }
0x2b: {  	[tilespmem:s28+$0x13890] =	vst v0  }
0x2c: {  	[tilespmem:s28+$0x138A0] =	vst v0  }
0x2d: {  	[tilespmem:s28+$0x138B0] =	vst v0  }
0x2e: {  	[tilespmem:s28+$0x138C0] =	vst v0  }
0x2f: {  	[tilespmem:s28+$0x138D0] =	vst v0  }
0x30: {  	[tilespmem:s28+$0x138E0] =	vst v0  }
0x31: {  	[spmem:s8] =	stream.linear.scatter [tilespmem:s19], [sflag:$0x2], $0x4000, $0x38;
	[tilespmem:$0x1B980] =	vst v63  }
0x32: {  	_ =	swait.ge [sflag:s20], $0x4000  }
0x33: {  	[sflag:s20] =	ssyncset.done $0x0  }
0x34: {  	[sflag:s20] =	ssyncadd.s32 $0xFFFFC000  }
0x35: {  	[spmem:s9] =	stream.linear.scatter [tilespmem:s19], [sflag:$0x2], $0x4000, $0x38;
	[tilespmem:$0x1B980] =	vst v63  }
0x36: {  	_ =	swait.ge [sflag:s20], $0x4000  }
0x37: {  	[sflag:s20] =	ssyncset.done $0x0  }
0x38: {  	[sflag:s20] =	ssyncadd.s32 $0xFFFFC000  }
0x39: {  	[spmem:s10] =	stream.linear.scatter [tilespmem:s19], [sflag:$0x2], $0x4000, $0x38;
	[tilespmem:$0x1B980] =	vst v63  }
0x3a: {  	_ =	swait.ge [sflag:s20], $0x4000  }
0x3b: {  	[sflag:s20] =	ssyncset.done $0x0  }
0x3c: {  	[sflag:s20] =	ssyncadd.s32 $0xFFFFC000  }
0x3d: {  	[spmem:s11] =	stream.linear.scatter [tilespmem:s19], [sflag:$0x2], $0x4000, $0x38;
	[tilespmem:$0x1B980] =	vst v63  }
0x3e: {  	_ =	swait.ge [sflag:s20], $0x4000  }
0x3f: {  	[sflag:s20] =	ssyncset.done $0x0  }
0x40: {  	[sflag:s20] =	ssyncadd.s32 $0xFFFFC000  }
0x41: {  	[spmem:s12] =	stream.linear.scatter [tilespmem:s19], [sflag:$0x2], $0x3800, $0x38;
	[tilespmem:$0x1B980] =	vst v63  }
0x42: {  	_ =	swait.ge [sflag:s20], $0x3800  }
0x43: {  	[sflag:s20] =	ssyncset.done $0x0  }
0x44: {  	s28 =	simm.s32 @!p0 $0x13880;
	[sflag:s20] =	ssyncadd.s32 $0xFFFFC800  }
0x45: {  	[spmem:s13] =	stream.linear.scatter @!p0 [tilespmem:s28], [sflag:$0x2], $0x800, $0x38;
	[tilespmem:$0x1B980] =	vst v63  }
0x46: {  	s28 =	simm.s32 @!p0 $0x2  }
.Ltmp3:
0x47: {  	_ =	swait.ge @!p0 [sflag:s28], $0x800;
	(pc) =	sbr.rel .LBB2_4-.Ltmp3, $4  }
0x48: {  	[sflag:s28] =	ssyncset.done @!p0 $0x0  }
0x49: {  	[sflag:s28] =	ssyncadd.s32 @!p0 $0xFFFFF800  }
0x4a: {  	[bflag:$0x0] =	sbarrier.arrive $0xFFFF  }
0x4b: {  	s28 =	simm.s32 $0x0  }
.LBB2_8:
0x4c: {  	s28 =	sadd.s32 $0x1, s28  }
0x4d: {  	p1 =	sne.s32 s28, $0x4F  }
.Ltmp4:
0x4e: {  	_ = 	snop;
	(pc) =	sbr.rel @!p1 .LBB2_9-.Ltmp4, $1  }
0x4f: {  	_ =	sdelay $0x3  }
.LBB2_4:
0x50: {  	p1 =	sge.u32 s28, s15  }
.Ltmp5:
0x51: {  	_ = 	snop;
	(pc) =	sbr.rel @p1 .LBB2_8-.Ltmp5, $1  }
0x52: {  	_ =	sdelay $0x3  }
0x53: {  	s29 =	sadd.s32 s28, s14  }
0x54: {  	s30 =	sshll.u32 s29, $0x4  }
0x55: {  	s30 =	sand.u32 $0xFFFFFF0, s30  }
0x56: {  	s0 =	simm.s32 $0x0;
	s31 =	sadd.s32 s6, s30  }
0x57: {  	[tilespmem:s21], [sflag:$0x3] =	stream.linear.gather [hbm4b:s31+s0], $0x80, $0x38;
	[tilespmem:$0x1B980] =	vst v63  }
0x58: {  	_ =	swait.ge [sflag:s22], $0x80  }
0x59: {  	[sflag:s22] =	ssyncset.done $0x0  }
0x5a: {  	s30 =	sadd.s32 s7, s30;
	[sflag:s22] =	ssyncadd.s32 $0xFFFFFF80  }
0x5b: {  	[tilespmem:s23], [sflag:$0x3] =	stream.linear.gather [hbm4b:s30+s0], $0x80, $0x38;
	[tilespmem:$0x1B980] =	vst v63  }
0x5c: {  	_ =	swait.ge [sflag:s22], $0x80  }
0x5d: {  	[sflag:s22] =	ssyncset.done $0x0  }
0x5e: {  	[sflag:s22] =	ssyncadd.s32 $0xFFFFFF80  }
0x5f: {  	[tilespmem:s19], [sflag:$0x1] =	stream.indirect.gather [hbm4b:s1+s24], $0x80, s21, s24, $0xb8;
	[tilespmem:$0x1B980] =	vst v63  }
0x60: {  	s29 =	sshll.u32 s29, $0xB;
	_ =	swait.ge [sflag:s25], $0x4000  }
0x61: {  	s29 =	sand.u32 $0x1FFFF800, s29;
	[sflag:s25] =	ssyncset.done $0x0  }
0x62: {  	s29 =	sadd.s32 s5, s29;
	[sflag:s25] =	ssyncadd.s32 $0xFFFFC000  }
0x63: {  	[tilespmem:s26], [sflag:$0x3] =	stream.linear.gather [hbm4b:s29+s0], $0x4000, $0x38;
	[tilespmem:$0x1B980] =	vst v63  }
0x64: {  	_ =	swait.ge [sflag:s22], $0x4000  }
0x65: {  	[sflag:s22] =	ssyncset.done $0x0  }
0x66: {  	s29 =	simm.s32 $0x0;
	[sflag:s22] =	ssyncadd.s32 $0xFFFFC000  }
0x67: {  	v8 =	vld [tilespmem:s29+$0x17880]  }
0x68: {  	v12 =	vld [tilespmem:s29+$0x17890]  }
0x69: {  	v6 =	vld [tilespmem:s29+$0x178A0]  }
0x6a: {  	v5 =	vld [tilespmem:s29+$0x178B0]  }
0x6b: {  	v4 =	vld [tilespmem:s29+$0x178C0]  }
0x6c: {  	v3 =	vld [tilespmem:s29+$0x178D0]  }
0x6d: {  	v2 =	vld [tilespmem:s29+$0x178E0]  }
0x6e: {  	v1 =	vld [tilespmem:s29+$0x178F0]  }
0x6f: {  	v13 =	vld [tilespmem:s29+$0x13880]  }
0x70: {  	v14 =	vld [tilespmem:s29+$0x13890]  }
0x71: {  	v11 =	vld [tilespmem:s29+$0x138A0]  }
0x72: {  	v10 =	vld [tilespmem:s29+$0x138B0]  }
0x73: {  	v9 =	vld [tilespmem:s29+$0x138C0]  }
0x74: {  	v7 =	vld [tilespmem:s29+$0x138D0];
	v13 =	vmul.f32 v8, v13  }
0x75: {  	s30 =	simm.s32 $0x200;
	v12 =	vmul.f32 v12, v14;
	v8 =	vld [tilespmem:s29+$0x138E0]  }
.LBB2_6:
0x76: {  	s0 =	sshra.s32 s30, $0x2;
	p1 =	sne.s32 s30, $0xFE00;
	[tilespmem:s29+$0x13880] =	vst v13;
	v6 =	vmul.f32 v6, v11;
	v11 =	vld [tilespmem:s29+$0x138F0]  }
0x77: {  	v13 =	vld [tilespmem:s0+$0x17880];
	[tilespmem:s29+$0x13890] =	vst v12;
	v5 =	vmul.f32 v5, v10  }
0x78: {  	v12 =	vld [tilespmem:s0+$0x17890];
	[tilespmem:s29+$0x138A0] =	vst v6;
	v4 =	vmul.f32 v4, v9  }
0x79: {  	v6 =	vld [tilespmem:s0+$0x178A0];
	[tilespmem:s29+$0x138B0] =	vst v5;
	v3 =	vmul.f32 v3, v7  }
0x7a: {  	v5 =	vld [tilespmem:s0+$0x178B0];
	[tilespmem:s29+$0x138C0] =	vst v4;
	v2 =	vmul.f32 v2, v8  }
0x7b: {  	v4 =	vld [tilespmem:s0+$0x178C0];
	[tilespmem:s29+$0x138D0] =	vst v3;
	v1 =	vmul.f32 v1, v11  }
0x7c: {  	v3 =	vld [tilespmem:s0+$0x178D0];
	[tilespmem:s29+$0x138E0] =	vst v2  }
0x7d: {  	v2 =	vld [tilespmem:s0+$0x178E0];
	[tilespmem:s29+$0x138F0] =	vst v1;
	s29 =	smov.u32 s0  }
0x7e: {  	v1 =	vld [tilespmem:s29+$0x178F0]  }
0x7f: {  	v7 =	vld [tilespmem:s29+$0x13880]  }
0x80: {  	v8 =	vld [tilespmem:s29+$0x13890]  }
.Ltmp6:
0x81: {  	v11 =	vld [tilespmem:s29+$0x138A0];
	(pc) =	sbr.rel @p1 .LBB2_6-.Ltmp6, $4  }
0x82: {  	v10 =	vld [tilespmem:s29+$0x138B0]  }
0x83: {  	v9 =	vld [tilespmem:s29+$0x138C0]  }
0x84: {  	v13 =	vmul.f32 v13, v7;
	v7 =	vld [tilespmem:s29+$0x138D0]  }
0x85: {  	s30 =	sadd.s32 $0x200, s30;
	v12 =	vmul.f32 v12, v8;
	v8 =	vld [tilespmem:s29+$0x138E0]  }
0x86: {  	[tilespmem:s29+$0x13880] =	vst v13;
	v6 =	vmul.f32 v6, v11;
	v63 =	vld [tilespmem:s29+$0x138F0]  }
0x87: {  	[tilespmem:s29+$0x13890] =	vst v12;
	v5 =	vmul.f32 v5, v10  }
0x88: {  	[tilespmem:s29+$0x138A0] =	vst v6;
	v4 =	vmul.f32 v4, v9  }
0x89: {  	[tilespmem:s29+$0x138B0] =	vst v5;
	v3 =	vmul.f32 v3, v7  }
0x8a: {  	[tilespmem:s29+$0x138C0] =	vst v4;
	v2 =	vmul.f32 v2, v8  }
0x8b: {  	[tilespmem:s29+$0x138D0] =	vst v3;
	v1 =	vmul.f32 v1, v63  }
0x8c: {  	[tilespmem:s29+$0x138E0] =	vst v2  }
.Ltmp7:
0x8d: {  	[tilespmem:s29+$0x138F0] =	vst v1;
	(pc) =	sbr.rel .LBB2_8-.Ltmp7, $4  }
0x8e: {  	[spmem:s2] =	stream.indirect.scatter.add.f32 [tilespmem:s19], [sflag:$0x2], $0x80, s23, s24, $0xb8;
	[tilespmem:$0x1B980] =	vst v63  }
0x8f: {  	_ =	swait.ge [sflag:s20], $0x4000  }
0x90: {  	[sflag:s20] =	ssyncset.done $0x0  }
0x91: {  	[sflag:s20] =	ssyncadd.s32 $0xFFFFC000  }
.LBB2_10:
0x92: {  	_ =	sfence.sel $0x180000  }
0x93: {  	[bflag:$0x0] =	sbarrier.arrive $0xFFFF  }
0x94: {  	_ =	strace $0x90000047  }
0x95: {  	[bflag:$0x2] =	sbarrier.arrive $0xFFFF  }
0x96: {  	p0 =	sne.s32 s3, $0x0;
	s0 =	rddreg [dreg:$0x3]  }
0x97: {  	s0 =	sadd.s32 @!p0 $0x100000, s0  }
0x98: {  	[sflag:s0] =	ssyncadd.tile.s32 @!p0 $0x1;
	_ =	shalt  }
.Lfunc_end2:
_tile_overlayer_lowered:
.L_overlay_start_2:
0x99: {  	(tag) =	ssettag $0x2  }
0x9a: {  	s0 =	rddreg [dreg:$0x0];
	s2 =	stileid.u32  }
0x9b: {  	s1 =	rddreg [dreg:$0x1];
	p0 =	sne.s32 s2, $0x0  }
0x9c: {  	s3 =	rddreg [dreg:$0x2];
	[bflag:$0x3] =	sbarrier.arrive $0xFFFF;
	s2 =	simm.s32 @!p0 $0x1C02  }
0x9d: {  	[timem:s3], [sflag:s2] =	dma.local @!p0 [hbm:s0], s1  }
0x9e: {  	s0 =	simm.s32 @!p0 $0x2  }
0x9f: {  	_ =	swait.ge @!p0 [sflag:s0], s1  }
0xa0: {  	s1 =	ssub.s32 @!p0 $0x0, s1;
	[sflag:s0] =	ssyncset.done @!p0 $0x0  }
0xa1: {  	[sflag:s0] =	ssyncadd.s32 @!p0 s1  }
0xa2: {  	[bflag:$0x3] =	sbarrier.arrive $0xFFFF  }
0xa3: {  	_ =	shalt  }

</sc_bundles>
